<compile_context>
chip_gen: v7x
topology: tpu7x:2x2x1
jax: 0.10.2.dev20260603
libtpu: 0.0.44.dev20260713+nightly
codegen_flags: <defaults>
</compile_context>

<pallas_src>
import functools

import jax
import jax.numpy as jnp
from jax import lax
from jax.experimental import pallas as pl
from jax.experimental.pallas import tpu as pltpu
from jax.experimental.pallas import tpu_sc as plsc

_LANES = 16
_CHUNK = 128


def _build(B, S, V, D, NC, NS):
    N = B * S
    mesh = plsc.VectorSubcoreMesh(core_axis_name="c", subcore_axis_name="s")

    @functools.partial(
        pl.kernel,
        mesh=mesh,
        out_type=jax.ShapeDtypeStruct((N, D), jnp.float32),
        scratch_types=[
            pltpu.VMEM((B, _CHUNK), jnp.int32),
            pltpu.VMEM((_CHUNK, D), jnp.float32),
            pltpu.VMEM((B, _CHUNK, D), jnp.float32),
            pltpu.SemaphoreType.DMA,
            pltpu.SemaphoreType.DMA,
            pltpu.SemaphoreType.DMA,
            pltpu.SemaphoreType.DMA,
        ],
    )
    def emb(ids_hbm, tok_hbm, pos_hbm, out_hbm, idx_v, pos_v, tok_v, sem_p, sem_i, sem_g, sem_s):
        wid = lax.axis_index("s") * NC + lax.axis_index("c")
        off = wid * _CHUNK
        idx_cp = pltpu.async_copy(ids_hbm.at[:, pl.ds(off, _CHUNK)], idx_v, sem_i)
        pos_cp = pltpu.async_copy(pos_hbm.at[pl.ds(off, _CHUNK)], pos_v, sem_p)
        idx_cp.wait()
        gathers = []
        for b in range(B):
            gathers.append(
                pltpu.async_copy(tok_hbm.at[idx_v.at[b]], tok_v.at[b], sem_g)
            )
        stores = []
        for b in range(B):
            gathers[b].wait()
            if b == 0:
                pos_cp.wait()

            @plsc.parallel_loop(0, _CHUNK, step=1, unroll=4)
            def add_row(r):
                for c in range(D // _LANES):
                    v = pos_v[r, pl.ds(c * _LANES, _LANES)]
                    plsc.addupdate(tok_v.at[b, r, pl.ds(c * _LANES, _LANES)], v)

            stores.append(
                pltpu.async_copy(
                    tok_v.at[b], out_hbm.at[pl.ds(b * S + off, _CHUNK)], sem_s
                )
            )
        for b in range(B):
            stores[b].wait()

    return emb


def kernel(input_ids, token_weight, pos_weight):
    B, S = input_ids.shape
    V, D = token_weight.shape
    info = plsc.get_sparse_core_info()
    NC, NS = info.num_cores, info.num_subcores
    emb = _build(B, S, V, D, NC, NS)
    out = emb(input_ids.astype(jnp.int32), token_weight, pos_weight)
    return out.reshape(B, S, D)

# --- scband reference (transcript-rebuilt; emitter-appended) ---
"""Pipeline reference for scband-combined-embedding-45861660786832 (READ-ONLY COPY).

The authoritative reference and input builder live on the scoring server;
editing this copy changes nothing except your own understanding.
"""

import jax, jax.numpy as jnp
import numpy as np

VOCAB = 100000
HIDDEN = 128
MAX_SEQ = 8192
B = 4
S = 4096

def setup_inputs(seed: int = 0) -> dict:
    key = jax.random.key(seed)
    k1, k2, k3 = jax.random.split(key, 3)
    input_ids = jax.random.randint(k1, (B, S), 0, VOCAB, dtype=jnp.int64 if jax.config.jax_enable_x64 else jnp.int32)
    token_weight = 0.02 * jax.random.normal(k2, (VOCAB, HIDDEN), dtype=jnp.float32)
    pos_weight = jax.random.normal(k3, (MAX_SEQ, HIDDEN), dtype=jnp.float32)
    return {"input_ids": input_ids, "token_weight": token_weight, "pos_weight": pos_weight}

def reference(input_ids, token_weight, pos_weight):
    b, s = input_ids.shape
    pos = jnp.broadcast_to(jnp.arange(s)[None, :], (b, s))
    tok_emb = jnp.take(token_weight, input_ids, axis=0)
    pos_emb = jnp.take(pos_weight, pos, axis=0)
    x = tok_emb + pos_emb
    # dropout p=0.0 -> identity
    return x

if __name__ == "__main__":
    import jax
    _d = setup_inputs()
    print(jax.jit(kernel)(*tuple(_d.values())))

</pallas_src>

<mosaic_0001>
#map = affine_map<(d0, d1) -> (0, 0)>
module attributes {stable_mosaic.version = 14 : i64} {
  func.func @emb(%arg0: i32, %arg1: i32, %arg2: memref<4x4096xi32, #tpu.memory_space<hbm>>, %arg3: memref<100000x128xf32, #tpu.memory_space<hbm>>, %arg4: memref<8192x128xf32, #tpu.memory_space<hbm>>, %arg5: memref<16384x128xf32, #tpu.memory_space<hbm>>, %arg6: memref<4x128xi32, #tpu.memory_space<vmem>>, %arg7: memref<128x128xf32, #tpu.memory_space<vmem>>, %arg8: memref<4x128x128xf32, #tpu.memory_space<vmem>>, %arg9: memref<!tpu.dma_semaphore, #tpu.memory_space<semaphore_mem>>, %arg10: memref<!tpu.dma_semaphore, #tpu.memory_space<semaphore_mem>>, %arg11: memref<!tpu.dma_semaphore, #tpu.memory_space<semaphore_mem>>, %arg12: memref<!tpu.dma_semaphore, #tpu.memory_space<semaphore_mem>>) attributes {dimension_semantics = [#tpu.dimension_semantics<core_parallel>, #tpu.dimension_semantics<subcore_parallel>], iteration_bounds = array<i64: 2, 16>, scalar_prefetch = 0 : i64, scratch_operands = 7 : i64, tpu.core_type = #tpu.core_type<sc_vector_subcore>, window_params = [{transform_indices = #map}, {transform_indices = #map}, {transform_indices = #map}, {transform_indices = #map}]} {
    %mul3A = arith.constant 2 : i32
    %mul3A_0 = arith.muli %arg1, %mul3A : i32
    %add3A = arith.addi %mul3A_0, %arg0 : i32
    %mul3A_1 = arith.constant 128 : i32
    %mul3A_2 = arith.muli %add3A, %mul3A_1 : i32
    %dma_start3A = arith.constant 0 : i32
    %dma_start3A_3 = tpu.memref_slice %arg2[%dma_start3A, %mul3A_2] : memref<4x4096xi32, #tpu.memory_space<hbm>> -> memref<4x128xi32, #tpu.memory_space<hbm>>
    %dma_start3A_4 = arith.constant 0 : i32
    %dma_start3A_5 = tpu.memref_slice %arg2[%dma_start3A_4, %mul3A_2] : memref<4x4096xi32, #tpu.memory_space<hbm>> -> memref<4x128xi32, #tpu.memory_space<hbm>>
    tpu.enqueue_dma source(%dma_start3A_5 : memref<4x128xi32, #tpu.memory_space<hbm>>) target(%arg6 : memref<4x128xi32, #tpu.memory_space<vmem>>) target_semaphore(%arg10 : memref<!tpu.dma_semaphore, #tpu.memory_space<semaphore_mem>>)
    %dma_start3A_6 = arith.constant 0 : i32
    %dma_start3A_7 = tpu.memref_slice %arg4[%mul3A_2, %dma_start3A_6] : memref<8192x128xf32, #tpu.memory_space<hbm>> -> memref<128x128xf32, #tpu.memory_space<hbm>>
    %dma_start3A_8 = arith.constant 0 : i32
    %dma_start3A_9 = tpu.memref_slice %arg4[%mul3A_2, %dma_start3A_8] : memref<8192x128xf32, #tpu.memory_space<hbm>> -> memref<128x128xf32, #tpu.memory_space<hbm>>
    tpu.enqueue_dma source(%dma_start3A_9 : memref<128x128xf32, #tpu.memory_space<hbm>>) target(%arg7 : memref<128x128xf32, #tpu.memory_space<vmem>>) target_semaphore(%arg9 : memref<!tpu.dma_semaphore, #tpu.memory_space<semaphore_mem>>)
    %dma_wait3A = arith.constant 0 : i32
    %dma_wait3A_10 = tpu.memref_slice %arg2[%dma_wait3A, %mul3A_2] : memref<4x4096xi32, #tpu.memory_space<hbm>> -> memref<4x128xi32, #tpu.memory_space<hbm>>
    %dma_wait3A_11 = arith.constant 0 : i32
    %dma_wait3A_12 = tpu.memref_slice %arg2[%dma_wait3A_11, %mul3A_2] : memref<4x4096xi32, #tpu.memory_space<hbm>> -> memref<4x128xi32, #tpu.memory_space<hbm>>
    tpu.wait_dma2 semaphore(%arg10 : memref<!tpu.dma_semaphore, #tpu.memory_space<semaphore_mem>>) src(%dma_wait3A_12 : memref<4x128xi32, #tpu.memory_space<hbm>>) dst(%arg6 : memref<4x128xi32, #tpu.memory_space<vmem>>)
    %dma_start3A_13 = arith.constant 0 : i32
    %dma_start3A_14 = arith.constant 0 : i32
    %dma_start3A_15 = arith.constant 0 : i32
    %dma_start3A_16 = arith.constant 0 : i32
    %dma_start3A_17 = tpu.memref_slice %arg8[%dma_start3A_14, %dma_start3A_15, %dma_start3A_16] : memref<4x128x128xf32, #tpu.memory_space<vmem>> -> memref<1x128x128xf32, #tpu.memory_space<vmem>>
    %dma_start3A_18 = tpu.memref_squeeze %dma_start3A_17 : memref<1x128x128xf32, #tpu.memory_space<vmem>> -> memref<128x128xf32, #tpu.memory_space<vmem>>
    %dma_start3A_19 = arith.constant 0 : i32
    %dma_start3A_20 = tpu.memref_slice %arg6[%dma_start3A_13, %dma_start3A_19] : memref<4x128xi32, #tpu.memory_space<vmem>> -> memref<1x128xi32, #tpu.memory_space<vmem>>
    %dma_start3A_21 = tpu.memref_squeeze %dma_start3A_20 : memref<1x128xi32, #tpu.memory_space<vmem>> -> memref<128xi32, #tpu.memory_space<vmem>>
    %dma_start3A_22 = arith.constant 0 : i32
    %dma_start3A_23 = arith.constant 0 : i32
    %dma_start3A_24 = tpu.memref_slice %arg3[%dma_start3A_22, %dma_start3A_23] : memref<100000x128xf32, #tpu.memory_space<hbm>> -> memref<100000x128xf32, #tpu.memory_space<hbm>>
    tpu.enqueue_indirect_dma source(%dma_start3A_24 : memref<100000x128xf32, #tpu.memory_space<hbm>>) target(%dma_start3A_18 : memref<128x128xf32, #tpu.memory_space<vmem>>) offsets(%dma_start3A_21 : memref<128xi32, #tpu.memory_space<vmem>>) semaphore(%arg11 : memref<!tpu.dma_semaphore, #tpu.memory_space<semaphore_mem>>)
    %dma_start3A_25 = arith.constant 1 : i32
    %dma_start3A_26 = arith.constant 1 : i32
    %dma_start3A_27 = arith.constant 0 : i32
    %dma_start3A_28 = arith.constant 0 : i32
    %dma_start3A_29 = tpu.memref_slice %arg8[%dma_start3A_26, %dma_start3A_27, %dma_start3A_28] : memref<4x128x128xf32, #tpu.memory_space<vmem>> -> memref<1x128x128xf32, #tpu.memory_space<vmem>>
    %dma_start3A_30 = tpu.memref_squeeze %dma_start3A_29 : memref<1x128x128xf32, #tpu.memory_space<vmem>> -> memref<128x128xf32, #tpu.memory_space<vmem>>
    %dma_start3A_31 = arith.constant 0 : i32
    %dma_start3A_32 = tpu.memref_slice %arg6[%dma_start3A_25, %dma_start3A_31] : memref<4x128xi32, #tpu.memory_space<vmem>> -> memref<1x128xi32, #tpu.memory_space<vmem>>
    %dma_start3A_33 = tpu.memref_squeeze %dma_start3A_32 : memref<1x128xi32, #tpu.memory_space<vmem>> -> memref<128xi32, #tpu.memory_space<vmem>>
    %dma_start3A_34 = arith.constant 0 : i32
    %dma_start3A_35 = arith.constant 0 : i32
    %dma_start3A_36 = tpu.memref_slice %arg3[%dma_start3A_34, %dma_start3A_35] : memref<100000x128xf32, #tpu.memory_space<hbm>> -> memref<100000x128xf32, #tpu.memory_space<hbm>>
    tpu.enqueue_indirect_dma source(%dma_start3A_36 : memref<100000x128xf32, #tpu.memory_space<hbm>>) target(%dma_start3A_30 : memref<128x128xf32, #tpu.memory_space<vmem>>) offsets(%dma_start3A_33 : memref<128xi32, #tpu.memory_space<vmem>>) semaphore(%arg11 : memref<!tpu.dma_semaphore, #tpu.memory_space<semaphore_mem>>)
    %dma_start3A_37 = arith.constant 2 : i32
    %dma_start3A_38 = arith.constant 2 : i32
    %dma_start3A_39 = arith.constant 0 : i32
    %dma_start3A_40 = arith.constant 0 : i32
    %dma_start3A_41 = tpu.memref_slice %arg8[%dma_start3A_38, %dma_start3A_39, %dma_start3A_40] : memref<4x128x128xf32, #tpu.memory_space<vmem>> -> memref<1x128x128xf32, #tpu.memory_space<vmem>>
    %dma_start3A_42 = tpu.memref_squeeze %dma_start3A_41 : memref<1x128x128xf32, #tpu.memory_space<vmem>> -> memref<128x128xf32, #tpu.memory_space<vmem>>
    %dma_start3A_43 = arith.constant 0 : i32
    %dma_start3A_44 = tpu.memref_slice %arg6[%dma_start3A_37, %dma_start3A_43] : memref<4x128xi32, #tpu.memory_space<vmem>> -> memref<1x128xi32, #tpu.memory_space<vmem>>
    %dma_start3A_45 = tpu.memref_squeeze %dma_start3A_44 : memref<1x128xi32, #tpu.memory_space<vmem>> -> memref<128xi32, #tpu.memory_space<vmem>>
    %dma_start3A_46 = arith.constant 0 : i32
    %dma_start3A_47 = arith.constant 0 : i32
    %dma_start3A_48 = tpu.memref_slice %arg3[%dma_start3A_46, %dma_start3A_47] : memref<100000x128xf32, #tpu.memory_space<hbm>> -> memref<100000x128xf32, #tpu.memory_space<hbm>>
    tpu.enqueue_indirect_dma source(%dma_start3A_48 : memref<100000x128xf32, #tpu.memory_space<hbm>>) target(%dma_start3A_42 : memref<128x128xf32, #tpu.memory_space<vmem>>) offsets(%dma_start3A_45 : memref<128xi32, #tpu.memory_space<vmem>>) semaphore(%arg11 : memref<!tpu.dma_semaphore, #tpu.memory_space<semaphore_mem>>)
    %dma_start3A_49 = arith.constant 3 : i32
    %dma_start3A_50 = arith.constant 3 : i32
    %dma_start3A_51 = arith.constant 0 : i32
    %dma_start3A_52 = arith.constant 0 : i32
    %dma_start3A_53 = tpu.memref_slice %arg8[%dma_start3A_50, %dma_start3A_51, %dma_start3A_52] : memref<4x128x128xf32, #tpu.memory_space<vmem>> -> memref<1x128x128xf32, #tpu.memory_space<vmem>>
    %dma_start3A_54 = tpu.memref_squeeze %dma_start3A_53 : memref<1x128x128xf32, #tpu.memory_space<vmem>> -> memref<128x128xf32, #tpu.memory_space<vmem>>
    %dma_start3A_55 = arith.constant 0 : i32
    %dma_start3A_56 = tpu.memref_slice %arg6[%dma_start3A_49, %dma_start3A_55] : memref<4x128xi32, #tpu.memory_space<vmem>> -> memref<1x128xi32, #tpu.memory_space<vmem>>
    %dma_start3A_57 = tpu.memref_squeeze %dma_start3A_56 : memref<1x128xi32, #tpu.memory_space<vmem>> -> memref<128xi32, #tpu.memory_space<vmem>>
    %dma_start3A_58 = arith.constant 0 : i32
    %dma_start3A_59 = arith.constant 0 : i32
    %dma_start3A_60 = tpu.memref_slice %arg3[%dma_start3A_58, %dma_start3A_59] : memref<100000x128xf32, #tpu.memory_space<hbm>> -> memref<100000x128xf32, #tpu.memory_space<hbm>>
    tpu.enqueue_indirect_dma source(%dma_start3A_60 : memref<100000x128xf32, #tpu.memory_space<hbm>>) target(%dma_start3A_54 : memref<128x128xf32, #tpu.memory_space<vmem>>) offsets(%dma_start3A_57 : memref<128xi32, #tpu.memory_space<vmem>>) semaphore(%arg11 : memref<!tpu.dma_semaphore, #tpu.memory_space<semaphore_mem>>)
    %dma_wait3A_61 = arith.constant 0 : i32
    %dma_wait3A_62 = arith.constant 0 : i32
    %dma_wait3A_63 = arith.constant 0 : i32
    %dma_wait3A_64 = arith.constant 0 : i32
    %dma_wait3A_65 = tpu.memref_slice %arg8[%dma_wait3A_62, %dma_wait3A_63, %dma_wait3A_64] : memref<4x128x128xf32, #tpu.memory_space<vmem>> -> memref<1x128x128xf32, #tpu.memory_space<vmem>>
    %dma_wait3A_66 = tpu.memref_squeeze %dma_wait3A_65 : memref<1x128x128xf32, #tpu.memory_space<vmem>> -> memref<128x128xf32, #tpu.memory_space<vmem>>
    %dma_wait3A_67 = arith.constant 0 : i32
    %dma_wait3A_68 = tpu.memref_slice %arg6[%dma_wait3A_61, %dma_wait3A_67] : memref<4x128xi32, #tpu.memory_space<vmem>> -> memref<1x128xi32, #tpu.memory_space<vmem>>
    %dma_wait3A_69 = tpu.memref_squeeze %dma_wait3A_68 : memref<1x128xi32, #tpu.memory_space<vmem>> -> memref<128xi32, #tpu.memory_space<vmem>>
    %dma_wait3A_70 = arith.constant 0 : i32
    %dma_wait3A_71 = arith.constant 0 : i32
    %dma_wait3A_72 = tpu.memref_slice %arg3[%dma_wait3A_70, %dma_wait3A_71] : memref<100000x128xf32, #tpu.memory_space<hbm>> -> memref<100000x128xf32, #tpu.memory_space<hbm>>
    tpu.wait_indirect_dma semaphore(%arg11 : memref<!tpu.dma_semaphore, #tpu.memory_space<semaphore_mem>>) src(%dma_wait3A_72 : memref<100000x128xf32, #tpu.memory_space<hbm>>) dst(%dma_wait3A_66 : memref<128x128xf32, #tpu.memory_space<vmem>>)
    %dma_wait3A_73 = arith.constant 0 : i32
    %dma_wait3A_74 = tpu.memref_slice %arg4[%mul3A_2, %dma_wait3A_73] : memref<8192x128xf32, #tpu.memory_space<hbm>> -> memref<128x128xf32, #tpu.memory_space<hbm>>
    %dma_wait3A_75 = arith.constant 0 : i32
    %dma_wait3A_76 = tpu.memref_slice %arg4[%mul3A_2, %dma_wait3A_75] : memref<8192x128xf32, #tpu.memory_space<hbm>> -> memref<128x128xf32, #tpu.memory_space<hbm>>
    tpu.wait_dma2 semaphore(%arg9 : memref<!tpu.dma_semaphore, #tpu.memory_space<semaphore_mem>>) src(%dma_wait3A_76 : memref<128x128xf32, #tpu.memory_space<hbm>>) dst(%arg7 : memref<128x128xf32, #tpu.memory_space<vmem>>)
    %parallel_loop3A = arith.constant 0 : i32
    %parallel_loop3A_77 = arith.constant 128 : i32
    %parallel_loop3A_78 = arith.constant 1 : i32
    scf.for %parallel_loop3A_236 = %parallel_loop3A to %parallel_loop3A_77 step %parallel_loop3A_78  : i32 {
      %parallel_loop3A_237 = arith.index_cast %parallel_loop3A_236 : i32 to index
      %parallel_loop3A_238 = arith.constant 0 : index
      %parallel_loop3A_239 = tpu.vector_load %arg7[%parallel_loop3A_237, %parallel_loop3A_238] {strides = array<i32>} : memref<128x128xf32, #tpu.memory_space<vmem>>, vector<1x16xf32>,
      %parallel_loop3A_240 = vector.shape_cast %parallel_loop3A_239 : vector<1x16xf32> to vector<16xf32>
      %parallel_loop3A_241 = arith.constant 0 : i32
      %parallel_loop3A_242 = arith.index_cast %parallel_loop3A_241 : i32 to index
      %parallel_loop3A_243 = arith.index_cast %parallel_loop3A_236 : i32 to index
      %parallel_loop3A_244 = arith.constant 0 : index
      %parallel_loop3A_245 = tpu.vector_load %arg8[%parallel_loop3A_242, %parallel_loop3A_243, %parallel_loop3A_244] {strides = array<i32>} : memref<4x128x128xf32, #tpu.memory_space<vmem>>, vector<1x1x16xf32>,
      %parallel_loop3A_246 = vector.shape_cast %parallel_loop3A_245 : vector<1x1x16xf32> to vector<16xf32>
      %parallel_loop3A_247 = vector.shape_cast %parallel_loop3A_240 : vector<16xf32> to vector<1x1x16xf32>
      tpu.vector_store %arg8[%parallel_loop3A_242, %parallel_loop3A_243, %parallel_loop3A_244], %parallel_loop3A_247 {add = true, strides = array<i32>} : memref<4x128x128xf32, #tpu.memory_space<vmem>>, vector<1x1x16xf32>,
      %parallel_loop3A_248 = arith.index_cast %parallel_loop3A_236 : i32 to index
      %parallel_loop3A_249 = arith.constant 16 : index
      %parallel_loop3A_250 = tpu.vector_load %arg7[%parallel_loop3A_248, %parallel_loop3A_249] {strides = array<i32>} : memref<128x128xf32, #tpu.memory_space<vmem>>, vector<1x16xf32>,
      %parallel_loop3A_251 = vector.shape_cast %parallel_loop3A_250 : vector<1x16xf32> to vector<16xf32>
      %parallel_loop3A_252 = arith.constant 0 : i32
      %parallel_loop3A_253 = arith.index_cast %parallel_loop3A_252 : i32 to index
      %parallel_loop3A_254 = arith.index_cast %parallel_loop3A_236 : i32 to index
      %parallel_loop3A_255 = arith.constant 16 : index
      %parallel_loop3A_256 = tpu.vector_load %arg8[%parallel_loop3A_253, %parallel_loop3A_254, %parallel_loop3A_255] {strides = array<i32>} : memref<4x128x128xf32, #tpu.memory_space<vmem>>, vector<1x1x16xf32>,
      %parallel_loop3A_257 = vector.shape_cast %parallel_loop3A_256 : vector<1x1x16xf32> to vector<16xf32>
      %parallel_loop3A_258 = vector.shape_cast %parallel_loop3A_251 : vector<16xf32> to vector<1x1x16xf32>
      tpu.vector_store %arg8[%parallel_loop3A_253, %parallel_loop3A_254, %parallel_loop3A_255], %parallel_loop3A_258 {add = true, strides = array<i32>} : memref<4x128x128xf32, #tpu.memory_space<vmem>>, vector<1x1x16xf32>,
      %parallel_loop3A_259 = arith.index_cast %parallel_loop3A_236 : i32 to index
      %parallel_loop3A_260 = arith.constant 32 : index
      %parallel_loop3A_261 = tpu.vector_load %arg7[%parallel_loop3A_259, %parallel_loop3A_260] {strides = array<i32>} : memref<128x128xf32, #tpu.memory_space<vmem>>, vector<1x16xf32>,
      %parallel_loop3A_262 = vector.shape_cast %parallel_loop3A_261 : vector<1x16xf32> to vector<16xf32>
      %parallel_loop3A_263 = arith.constant 0 : i32
      %parallel_loop3A_264 = arith.index_cast %parallel_loop3A_263 : i32 to index
      %parallel_loop3A_265 = arith.index_cast %parallel_loop3A_236 : i32 to index
      %parallel_loop3A_266 = arith.constant 32 : index
      %parallel_loop3A_267 = tpu.vector_load %arg8[%parallel_loop3A_264, %parallel_loop3A_265, %parallel_loop3A_266] {strides = array<i32>} : memref<4x128x128xf32, #tpu.memory_space<vmem>>, vector<1x1x16xf32>,
      %parallel_loop3A_268 = vector.shape_cast %parallel_loop3A_267 : vector<1x1x16xf32> to vector<16xf32>
      %parallel_loop3A_269 = vector.shape_cast %parallel_loop3A_262 : vector<16xf32> to vector<1x1x16xf32>
      tpu.vector_store %arg8[%parallel_loop3A_264, %parallel_loop3A_265, %parallel_loop3A_266], %parallel_loop3A_269 {add = true, strides = array<i32>} : memref<4x128x128xf32, #tpu.memory_space<vmem>>, vector<1x1x16xf32>,
      %parallel_loop3A_270 = arith.index_cast %parallel_loop3A_236 : i32 to index
      %parallel_loop3A_271 = arith.constant 48 : index
      %parallel_loop3A_272 = tpu.vector_load %arg7[%parallel_loop3A_270, %parallel_loop3A_271] {strides = array<i32>} : memref<128x128xf32, #tpu.memory_space<vmem>>, vector<1x16xf32>,
      %parallel_loop3A_273 = vector.shape_cast %parallel_loop3A_272 : vector<1x16xf32> to vector<16xf32>
      %parallel_loop3A_274 = arith.constant 0 : i32
      %parallel_loop3A_275 = arith.index_cast %parallel_loop3A_274 : i32 to index
      %parallel_loop3A_276 = arith.index_cast %parallel_loop3A_236 : i32 to index
      %parallel_loop3A_277 = arith.constant 48 : index
      %parallel_loop3A_278 = tpu.vector_load %arg8[%parallel_loop3A_275, %parallel_loop3A_276, %parallel_loop3A_277] {strides = array<i32>} : memref<4x128x128xf32, #tpu.memory_space<vmem>>, vector<1x1x16xf32>,
      %parallel_loop3A_279 = vector.shape_cast %parallel_loop3A_278 : vector<1x1x16xf32> to vector<16xf32>
      %parallel_loop3A_280 = vector.shape_cast %parallel_loop3A_273 : vector<16xf32> to vector<1x1x16xf32>
      tpu.vector_store %arg8[%parallel_loop3A_275, %parallel_loop3A_276, %parallel_loop3A_277], %parallel_loop3A_280 {add = true, strides = array<i32>} : memref<4x128x128xf32, #tpu.memory_space<vmem>>, vector<1x1x16xf32>,
      %parallel_loop3A_281 = arith.index_cast %parallel_loop3A_236 : i32 to index
      %parallel_loop3A_282 = arith.constant 64 : index
      %parallel_loop3A_283 = tpu.vector_load %arg7[%parallel_loop3A_281, %parallel_loop3A_282] {strides = array<i32>} : memref<128x128xf32, #tpu.memory_space<vmem>>, vector<1x16xf32>,
      %parallel_loop3A_284 = vector.shape_cast %parallel_loop3A_283 : vector<1x16xf32> to vector<16xf32>
      %parallel_loop3A_285 = arith.constant 0 : i32
      %parallel_loop3A_286 = arith.index_cast %parallel_loop3A_285 : i32 to index
      %parallel_loop3A_287 = arith.index_cast %parallel_loop3A_236 : i32 to index
      %parallel_loop3A_288 = arith.constant 64 : index
      %parallel_loop3A_289 = tpu.vector_load %arg8[%parallel_loop3A_286, %parallel_loop3A_287, %parallel_loop3A_288] {strides = array<i32>} : memref<4x128x128xf32, #tpu.memory_space<vmem>>, vector<1x1x16xf32>,
      %parallel_loop3A_290 = vector.shape_cast %parallel_loop3A_289 : vector<1x1x16xf32> to vector<16xf32>
      %parallel_loop3A_291 = vector.shape_cast %parallel_loop3A_284 : vector<16xf32> to vector<1x1x16xf32>
      tpu.vector_store %arg8[%parallel_loop3A_286, %parallel_loop3A_287, %parallel_loop3A_288], %parallel_loop3A_291 {add = true, strides = array<i32>} : memref<4x128x128xf32, #tpu.memory_space<vmem>>, vector<1x1x16xf32>,
      %parallel_loop3A_292 = arith.index_cast %parallel_loop3A_236 : i32 to index
      %parallel_loop3A_293 = arith.constant 80 : index
      %parallel_loop3A_294 = tpu.vector_load %arg7[%parallel_loop3A_292, %parallel_loop3A_293] {strides = array<i32>} : memref<128x128xf32, #tpu.memory_space<vmem>>, vector<1x16xf32>,
      %parallel_loop3A_295 = vector.shape_cast %parallel_loop3A_294 : vector<1x16xf32> to vector<16xf32>
      %parallel_loop3A_296 = arith.constant 0 : i32
      %parallel_loop3A_297 = arith.index_cast %parallel_loop3A_296 : i32 to index
      %parallel_loop3A_298 = arith.index_cast %parallel_loop3A_236 : i32 to index
      %parallel_loop3A_299 = arith.constant 80 : index
      %parallel_loop3A_300 = tpu.vector_load %arg8[%parallel_loop3A_297, %parallel_loop3A_298, %parallel_loop3A_299] {strides = array<i32>} : memref<4x128x128xf32, #tpu.memory_space<vmem>>, vector<1x1x16xf32>,
      %parallel_loop3A_301 = vector.shape_cast %parallel_loop3A_300 : vector<1x1x16xf32> to vector<16xf32>
      %parallel_loop3A_302 = vector.shape_cast %parallel_loop3A_295 : vector<16xf32> to vector<1x1x16xf32>
      tpu.vector_store %arg8[%parallel_loop3A_297, %parallel_loop3A_298, %parallel_loop3A_299], %parallel_loop3A_302 {add = true, strides = array<i32>} : memref<4x128x128xf32, #tpu.memory_space<vmem>>, vector<1x1x16xf32>,
      %parallel_loop3A_303 = arith.index_cast %parallel_loop3A_236 : i32 to index
      %parallel_loop3A_304 = arith.constant 96 : index
      %parallel_loop3A_305 = tpu.vector_load %arg7[%parallel_loop3A_303, %parallel_loop3A_304] {strides = array<i32>} : memref<128x128xf32, #tpu.memory_space<vmem>>, vector<1x16xf32>,
      %parallel_loop3A_306 = vector.shape_cast %parallel_loop3A_305 : vector<1x16xf32> to vector<16xf32>
      %parallel_loop3A_307 = arith.constant 0 : i32
      %parallel_loop3A_308 = arith.index_cast %parallel_loop3A_307 : i32 to index
      %parallel_loop3A_309 = arith.index_cast %parallel_loop3A_236 : i32 to index
      %parallel_loop3A_310 = arith.constant 96 : index
      %parallel_loop3A_311 = tpu.vector_load %arg8[%parallel_loop3A_308, %parallel_loop3A_309, %parallel_loop3A_310] {strides = array<i32>} : memref<4x128x128xf32, #tpu.memory_space<vmem>>, vector<1x1x16xf32>,
      %parallel_loop3A_312 = vector.shape_cast %parallel_loop3A_311 : vector<1x1x16xf32> to vector<16xf32>
      %parallel_loop3A_313 = vector.shape_cast %parallel_loop3A_306 : vector<16xf32> to vector<1x1x16xf32>
      tpu.vector_store %arg8[%parallel_loop3A_308, %parallel_loop3A_309, %parallel_loop3A_310], %parallel_loop3A_313 {add = true, strides = array<i32>} : memref<4x128x128xf32, #tpu.memory_space<vmem>>, vector<1x1x16xf32>,
      %parallel_loop3A_314 = arith.index_cast %parallel_loop3A_236 : i32 to index
      %parallel_loop3A_315 = arith.constant 112 : index
      %parallel_loop3A_316 = tpu.vector_load %arg7[%parallel_loop3A_314, %parallel_loop3A_315] {strides = array<i32>} : memref<128x128xf32, #tpu.memory_space<vmem>>, vector<1x16xf32>,
      %parallel_loop3A_317 = vector.shape_cast %parallel_loop3A_316 : vector<1x16xf32> to vector<16xf32>
      %parallel_loop3A_318 = arith.constant 0 : i32
      %parallel_loop3A_319 = arith.index_cast %parallel_loop3A_318 : i32 to index
      %parallel_loop3A_320 = arith.index_cast %parallel_loop3A_236 : i32 to index
      %parallel_loop3A_321 = arith.constant 112 : index
      %parallel_loop3A_322 = tpu.vector_load %arg8[%parallel_loop3A_319, %parallel_loop3A_320, %parallel_loop3A_321] {strides = array<i32>} : memref<4x128x128xf32, #tpu.memory_space<vmem>>, vector<1x1x16xf32>,
      %parallel_loop3A_323 = vector.shape_cast %parallel_loop3A_322 : vector<1x1x16xf32> to vector<16xf32>
      %parallel_loop3A_324 = vector.shape_cast %parallel_loop3A_317 : vector<16xf32> to vector<1x1x16xf32>
      tpu.vector_store %arg8[%parallel_loop3A_319, %parallel_loop3A_320, %parallel_loop3A_321], %parallel_loop3A_324 {add = true, strides = array<i32>} : memref<4x128x128xf32, #tpu.memory_space<vmem>>, vector<1x1x16xf32>,
    } {sc.loop_unroll_factor = 4 : i64, sc.parallel_access}
    %add3A_79 = arith.constant 0 : i32
    %add3A_80 = arith.addi %add3A_79, %mul3A_2 : i32
    %dma_start3A_81 = arith.constant 0 : i32
    %dma_start3A_82 = arith.constant 0 : i32
    %dma_start3A_83 = arith.constant 0 : i32
    %dma_start3A_84 = tpu.memref_slice %arg8[%dma_start3A_81, %dma_start3A_82, %dma_start3A_83] : memref<4x128x128xf32, #tpu.memory_space<vmem>> -> memref<1x128x128xf32, #tpu.memory_space<vmem>>
    %dma_start3A_85 = tpu.memref_squeeze %dma_start3A_84 : memref<1x128x128xf32, #tpu.memory_space<vmem>> -> memref<128x128xf32, #tpu.memory_space<vmem>>
    %dma_start3A_86 = arith.constant 0 : i32
    %dma_start3A_87 = tpu.memref_slice %arg5[%add3A_80, %dma_start3A_86] : memref<16384x128xf32, #tpu.memory_space<hbm>> -> memref<128x128xf32, #tpu.memory_space<hbm>>
    %dma_start3A_88 = arith.constant 0 : i32
    %dma_start3A_89 = tpu.memref_slice %arg5[%add3A_80, %dma_start3A_88] : memref<16384x128xf32, #tpu.memory_space<hbm>> -> memref<128x128xf32, #tpu.memory_space<hbm>>
    %dma_start3A_90 = arith.constant 0 : i32
    %dma_start3A_91 = arith.constant 0 : i32
    %dma_start3A_92 = tpu.memref_slice %arg8[%dma_start3A_81, %dma_start3A_90, %dma_start3A_91] : memref<4x128x128xf32, #tpu.memory_space<vmem>> -> memref<1x128x128xf32, #tpu.memory_space<vmem>>
    %dma_start3A_93 = tpu.memref_squeeze %dma_start3A_92 : memref<1x128x128xf32, #tpu.memory_space<vmem>> -> memref<128x128xf32, #tpu.memory_space<vmem>>
    tpu.enqueue_dma source(%dma_start3A_93 : memref<128x128xf32, #tpu.memory_space<vmem>>) target(%dma_start3A_89 : memref<128x128xf32, #tpu.memory_space<hbm>>) target_semaphore(%arg12 : memref<!tpu.dma_semaphore, #tpu.memory_space<semaphore_mem>>)
    %dma_wait3A_94 = arith.constant 1 : i32
    %dma_wait3A_95 = arith.constant 1 : i32
    %dma_wait3A_96 = arith.constant 0 : i32
    %dma_wait3A_97 = arith.constant 0 : i32
    %dma_wait3A_98 = tpu.memref_slice %arg8[%dma_wait3A_95, %dma_wait3A_96, %dma_wait3A_97] : memref<4x128x128xf32, #tpu.memory_space<vmem>> -> memref<1x128x128xf32, #tpu.memory_space<vmem>>
    %dma_wait3A_99 = tpu.memref_squeeze %dma_wait3A_98 : memref<1x128x128xf32, #tpu.memory_space<vmem>> -> memref<128x128xf32, #tpu.memory_space<vmem>>
    %dma_wait3A_100 = arith.constant 0 : i32
    %dma_wait3A_101 = tpu.memref_slice %arg6[%dma_wait3A_94, %dma_wait3A_100] : memref<4x128xi32, #tpu.memory_space<vmem>> -> memref<1x128xi32, #tpu.memory_space<vmem>>
    %dma_wait3A_102 = tpu.memref_squeeze %dma_wait3A_101 : memref<1x128xi32, #tpu.memory_space<vmem>> -> memref<128xi32, #tpu.memory_space<vmem>>
    %dma_wait3A_103 = arith.constant 0 : i32
    %dma_wait3A_104 = arith.constant 0 : i32
    %dma_wait3A_105 = tpu.memref_slice %arg3[%dma_wait3A_103, %dma_wait3A_104] : memref<100000x128xf32, #tpu.memory_space<hbm>> -> memref<100000x128xf32, #tpu.memory_space<hbm>>
    tpu.wait_indirect_dma semaphore(%arg11 : memref<!tpu.dma_semaphore, #tpu.memory_space<semaphore_mem>>) src(%dma_wait3A_105 : memref<100000x128xf32, #tpu.memory_space<hbm>>) dst(%dma_wait3A_99 : memref<128x128xf32, #tpu.memory_space<vmem>>)
    %parallel_loop3A_106 = arith.constant 0 : i32
    %parallel_loop3A_107 = arith.constant 128 : i32
    %parallel_loop3A_108 = arith.constant 1 : i32
    scf.for %parallel_loop3A_236 = %parallel_loop3A_106 to %parallel_loop3A_107 step %parallel_loop3A_108  : i32 {
      %parallel_loop3A_237 = arith.index_cast %parallel_loop3A_236 : i32 to index
      %parallel_loop3A_238 = arith.constant 0 : index
      %parallel_loop3A_239 = tpu.vector_load %arg7[%parallel_loop3A_237, %parallel_loop3A_238] {strides = array<i32>} : memref<128x128xf32, #tpu.memory_space<vmem>>, vector<1x16xf32>,
      %parallel_loop3A_240 = vector.shape_cast %parallel_loop3A_239 : vector<1x16xf32> to vector<16xf32>
      %parallel_loop3A_241 = arith.constant 1 : i32
      %parallel_loop3A_242 = arith.index_cast %parallel_loop3A_241 : i32 to index
      %parallel_loop3A_243 = arith.index_cast %parallel_loop3A_236 : i32 to index
      %parallel_loop3A_244 = arith.constant 0 : index
      %parallel_loop3A_245 = tpu.vector_load %arg8[%parallel_loop3A_242, %parallel_loop3A_243, %parallel_loop3A_244] {strides = array<i32>} : memref<4x128x128xf32, #tpu.memory_space<vmem>>, vector<1x1x16xf32>,
      %parallel_loop3A_246 = vector.shape_cast %parallel_loop3A_245 : vector<1x1x16xf32> to vector<16xf32>
      %parallel_loop3A_247 = vector.shape_cast %parallel_loop3A_240 : vector<16xf32> to vector<1x1x16xf32>
      tpu.vector_store %arg8[%parallel_loop3A_242, %parallel_loop3A_243, %parallel_loop3A_244], %parallel_loop3A_247 {add = true, strides = array<i32>} : memref<4x128x128xf32, #tpu.memory_space<vmem>>, vector<1x1x16xf32>,
      %parallel_loop3A_248 = arith.index_cast %parallel_loop3A_236 : i32 to index
      %parallel_loop3A_249 = arith.constant 16 : index
      %parallel_loop3A_250 = tpu.vector_load %arg7[%parallel_loop3A_248, %parallel_loop3A_249] {strides = array<i32>} : memref<128x128xf32, #tpu.memory_space<vmem>>, vector<1x16xf32>,
      %parallel_loop3A_251 = vector.shape_cast %parallel_loop3A_250 : vector<1x16xf32> to vector<16xf32>
      %parallel_loop3A_252 = arith.constant 1 : i32
      %parallel_loop3A_253 = arith.index_cast %parallel_loop3A_252 : i32 to index
      %parallel_loop3A_254 = arith.index_cast %parallel_loop3A_236 : i32 to index
      %parallel_loop3A_255 = arith.constant 16 : index
      %parallel_loop3A_256 = tpu.vector_load %arg8[%parallel_loop3A_253, %parallel_loop3A_254, %parallel_loop3A_255] {strides = array<i32>} : memref<4x128x128xf32, #tpu.memory_space<vmem>>, vector<1x1x16xf32>,
      %parallel_loop3A_257 = vector.shape_cast %parallel_loop3A_256 : vector<1x1x16xf32> to vector<16xf32>
      %parallel_loop3A_258 = vector.shape_cast %parallel_loop3A_251 : vector<16xf32> to vector<1x1x16xf32>
      tpu.vector_store %arg8[%parallel_loop3A_253, %parallel_loop3A_254, %parallel_loop3A_255], %parallel_loop3A_258 {add = true, strides = array<i32>} : memref<4x128x128xf32, #tpu.memory_space<vmem>>, vector<1x1x16xf32>,
      %parallel_loop3A_259 = arith.index_cast %parallel_loop3A_236 : i32 to index
      %parallel_loop3A_260 = arith.constant 32 : index
      %parallel_loop3A_261 = tpu.vector_load %arg7[%parallel_loop3A_259, %parallel_loop3A_260] {strides = array<i32>} : memref<128x128xf32, #tpu.memory_space<vmem>>, vector<1x16xf32>,
      %parallel_loop3A_262 = vector.shape_cast %parallel_loop3A_261 : vector<1x16xf32> to vector<16xf32>
      %parallel_loop3A_263 = arith.constant 1 : i32
      %parallel_loop3A_264 = arith.index_cast %parallel_loop3A_263 : i32 to index
      %parallel_loop3A_265 = arith.index_cast %parallel_loop3A_236 : i32 to index
      %parallel_loop3A_266 = arith.constant 32 : index
      %parallel_loop3A_267 = tpu.vector_load %arg8[%parallel_loop3A_264, %parallel_loop3A_265, %parallel_loop3A_266] {strides = array<i32>} : memref<4x128x128xf32, #tpu.memory_space<vmem>>, vector<1x1x16xf32>,
      %parallel_loop3A_268 = vector.shape_cast %parallel_loop3A_267 : vector<1x1x16xf32> to vector<16xf32>
      %parallel_loop3A_269 = vector.shape_cast %parallel_loop3A_262 : vector<16xf32> to vector<1x1x16xf32>
      tpu.vector_store %arg8[%parallel_loop3A_264, %parallel_loop3A_265, %parallel_loop3A_266], %parallel_loop3A_269 {add = true, strides = array<i32>} : memref<4x128x128xf32, #tpu.memory_space<vmem>>, vector<1x1x16xf32>,
      %parallel_loop3A_270 = arith.index_cast %parallel_loop3A_236 : i32 to index
      %parallel_loop3A_271 = arith.constant 48 : index
      %parallel_loop3A_272 = tpu.vector_load %arg7[%parallel_loop3A_270, %parallel_loop3A_271] {strides = array<i32>} : memref<128x128xf32, #tpu.memory_space<vmem>>, vector<1x16xf32>,
      %parallel_loop3A_273 = vector.shape_cast %parallel_loop3A_272 : vector<1x16xf32> to vector<16xf32>
      %parallel_loop3A_274 = arith.constant 1 : i32
      %parallel_loop3A_275 = arith.index_cast %parallel_loop3A_274 : i32 to index
      %parallel_loop3A_276 = arith.index_cast %parallel_loop3A_236 : i32 to index
      %parallel_loop3A_277 = arith.constant 48 : index
      %parallel_loop3A_278 = tpu.vector_load %arg8[%parallel_loop3A_275, %parallel_loop3A_276, %parallel_loop3A_277] {strides = array<i32>} : memref<4x128x128xf32, #tpu.memory_space<vmem>>, vector<1x1x16xf32>,
      %parallel_loop3A_279 = vector.shape_cast %parallel_loop3A_278 : vector<1x1x16xf32> to vector<16xf32>
      %parallel_loop3A_280 = vector.shape_cast %parallel_loop3A_273 : vector<16xf32> to vector<1x1x16xf32>
      tpu.vector_store %arg8[%parallel_loop3A_275, %parallel_loop3A_276, %parallel_loop3A_277], %parallel_loop3A_280 {add = true, strides = array<i32>} : memref<4x128x128xf32, #tpu.memory_space<vmem>>, vector<1x1x16xf32>,
      %parallel_loop3A_281 = arith.index_cast %parallel_loop3A_236 : i32 to index
      %parallel_loop3A_282 = arith.constant 64 : index
      %parallel_loop3A_283 = tpu.vector_load %arg7[%parallel_loop3A_281, %parallel_loop3A_282] {strides = array<i32>} : memref<128x128xf32, #tpu.memory_space<vmem>>, vector<1x16xf32>,
      %parallel_loop3A_284 = vector.shape_cast %parallel_loop3A_283 : vector<1x16xf32> to vector<16xf32>
      %parallel_loop3A_285 = arith.constant 1 : i32
      %parallel_loop3A_286 = arith.index_cast %parallel_loop3A_285 : i32 to index
      %parallel_loop3A_287 = arith.index_cast %parallel_loop3A_236 : i32 to index
      %parallel_loop3A_288 = arith.constant 64 : index
      %parallel_loop3A_289 = tpu.vector_load %arg8[%parallel_loop3A_286, %parallel_loop3A_287, %parallel_loop3A_288] {strides = array<i32>} : memref<4x128x128xf32, #tpu.memory_space<vmem>>, vector<1x1x16xf32>,
      %parallel_loop3A_290 = vector.shape_cast %parallel_loop3A_289 : vector<1x1x16xf32> to vector<16xf32>
      %parallel_loop3A_291 = vector.shape_cast %parallel_loop3A_284 : vector<16xf32> to vector<1x1x16xf32>
      tpu.vector_store %arg8[%parallel_loop3A_286, %parallel_loop3A_287, %parallel_loop3A_288], %parallel_loop3A_291 {add = true, strides = array<i32>} : memref<4x128x128xf32, #tpu.memory_space<vmem>>, vector<1x1x16xf32>,
      %parallel_loop3A_292 = arith.index_cast %parallel_loop3A_236 : i32 to index
      %parallel_loop3A_293 = arith.constant 80 : index
      %parallel_loop3A_294 = tpu.vector_load %arg7[%parallel_loop3A_292, %parallel_loop3A_293] {strides = array<i32>} : memref<128x128xf32, #tpu.memory_space<vmem>>, vector<1x16xf32>,
      %parallel_loop3A_295 = vector.shape_cast %parallel_loop3A_294 : vector<1x16xf32> to vector<16xf32>
      %parallel_loop3A_296 = arith.constant 1 : i32
      %parallel_loop3A_297 = arith.index_cast %parallel_loop3A_296 : i32 to index
      %parallel_loop3A_298 = arith.index_cast %parallel_loop3A_236 : i32 to index
      %parallel_loop3A_299 = arith.constant 80 : index
      %parallel_loop3A_300 = tpu.vector_load %arg8[%parallel_loop3A_297, %parallel_loop3A_298, %parallel_loop3A_299] {strides = array<i32>} : memref<4x128x128xf32, #tpu.memory_space<vmem>>, vector<1x1x16xf32>,
      %parallel_loop3A_301 = vector.shape_cast %parallel_loop3A_300 : vector<1x1x16xf32> to vector<16xf32>
      %parallel_loop3A_302 = vector.shape_cast %parallel_loop3A_295 : vector<16xf32> to vector<1x1x16xf32>
      tpu.vector_store %arg8[%parallel_loop3A_297, %parallel_loop3A_298, %parallel_loop3A_299], %parallel_loop3A_302 {add = true, strides = array<i32>} : memref<4x128x128xf32, #tpu.memory_space<vmem>>, vector<1x1x16xf32>,
      %parallel_loop3A_303 = arith.index_cast %parallel_loop3A_236 : i32 to index
      %parallel_loop3A_304 = arith.constant 96 : index
      %parallel_loop3A_305 = tpu.vector_load %arg7[%parallel_loop3A_303, %parallel_loop3A_304] {strides = array<i32>} : memref<128x128xf32, #tpu.memory_space<vmem>>, vector<1x16xf32>,
      %parallel_loop3A_306 = vector.shape_cast %parallel_loop3A_305 : vector<1x16xf32> to vector<16xf32>
      %parallel_loop3A_307 = arith.constant 1 : i32
      %parallel_loop3A_308 = arith.index_cast %parallel_loop3A_307 : i32 to index
      %parallel_loop3A_309 = arith.index_cast %parallel_loop3A_236 : i32 to index
      %parallel_loop3A_310 = arith.constant 96 : index
      %parallel_loop3A_311 = tpu.vector_load %arg8[%parallel_loop3A_308, %parallel_loop3A_309, %parallel_loop3A_310] {strides = array<i32>} : memref<4x128x128xf32, #tpu.memory_space<vmem>>, vector<1x1x16xf32>,
      %parallel_loop3A_312 = vector.shape_cast %parallel_loop3A_311 : vector<1x1x16xf32> to vector<16xf32>
      %parallel_loop3A_313 = vector.shape_cast %parallel_loop3A_306 : vector<16xf32> to vector<1x1x16xf32>
      tpu.vector_store %arg8[%parallel_loop3A_308, %parallel_loop3A_309, %parallel_loop3A_310], %parallel_loop3A_313 {add = true, strides = array<i32>} : memref<4x128x128xf32, #tpu.memory_space<vmem>>, vector<1x1x16xf32>,
      %parallel_loop3A_314 = arith.index_cast %parallel_loop3A_236 : i32 to index
      %parallel_loop3A_315 = arith.constant 112 : index
      %parallel_loop3A_316 = tpu.vector_load %arg7[%parallel_loop3A_314, %parallel_loop3A_315] {strides = array<i32>} : memref<128x128xf32, #tpu.memory_space<vmem>>, vector<1x16xf32>,
      %parallel_loop3A_317 = vector.shape_cast %parallel_loop3A_316 : vector<1x16xf32> to vector<16xf32>
      %parallel_loop3A_318 = arith.constant 1 : i32
      %parallel_loop3A_319 = arith.index_cast %parallel_loop3A_318 : i32 to index
      %parallel_loop3A_320 = arith.index_cast %parallel_loop3A_236 : i32 to index
      %parallel_loop3A_321 = arith.constant 112 : index
      %parallel_loop3A_322 = tpu.vector_load %arg8[%parallel_loop3A_319, %parallel_loop3A_320, %parallel_loop3A_321] {strides = array<i32>} : memref<4x128x128xf32, #tpu.memory_space<vmem>>, vector<1x1x16xf32>,
      %parallel_loop3A_323 = vector.shape_cast %parallel_loop3A_322 : vector<1x1x16xf32> to vector<16xf32>
      %parallel_loop3A_324 = vector.shape_cast %parallel_loop3A_317 : vector<16xf32> to vector<1x1x16xf32>
      tpu.vector_store %arg8[%parallel_loop3A_319, %parallel_loop3A_320, %parallel_loop3A_321], %parallel_loop3A_324 {add = true, strides = array<i32>} : memref<4x128x128xf32, #tpu.memory_space<vmem>>, vector<1x1x16xf32>,
    } {sc.loop_unroll_factor = 4 : i64, sc.parallel_access}
    %add3A_109 = arith.constant 4096 : i32
    %add3A_110 = arith.addi %add3A_109, %mul3A_2 : i32
    %dma_start3A_111 = arith.constant 1 : i32
    %dma_start3A_112 = arith.constant 0 : i32
    %dma_start3A_113 = arith.constant 0 : i32
    %dma_start3A_114 = tpu.memref_slice %arg8[%dma_start3A_111, %dma_start3A_112, %dma_start3A_113] : memref<4x128x128xf32, #tpu.memory_space<vmem>> -> memref<1x128x128xf32, #tpu.memory_space<vmem>>
    %dma_start3A_115 = tpu.memref_squeeze %dma_start3A_114 : memref<1x128x128xf32, #tpu.memory_space<vmem>> -> memref<128x128xf32, #tpu.memory_space<vmem>>
    %dma_start3A_116 = arith.constant 0 : i32
    %dma_start3A_117 = tpu.memref_slice %arg5[%add3A_110, %dma_start3A_116] : memref<16384x128xf32, #tpu.memory_space<hbm>> -> memref<128x128xf32, #tpu.memory_space<hbm>>
    %dma_start3A_118 = arith.constant 0 : i32
    %dma_start3A_119 = tpu.memref_slice %arg5[%add3A_110, %dma_start3A_118] : memref<16384x128xf32, #tpu.memory_space<hbm>> -> memref<128x128xf32, #tpu.memory_space<hbm>>
    %dma_start3A_120 = arith.constant 0 : i32
    %dma_start3A_121 = arith.constant 0 : i32
    %dma_start3A_122 = tpu.memref_slice %arg8[%dma_start3A_111, %dma_start3A_120, %dma_start3A_121] : memref<4x128x128xf32, #tpu.memory_space<vmem>> -> memref<1x128x128xf32, #tpu.memory_space<vmem>>
    %dma_start3A_123 = tpu.memref_squeeze %dma_start3A_122 : memref<1x128x128xf32, #tpu.memory_space<vmem>> -> memref<128x128xf32, #tpu.memory_space<vmem>>
    tpu.enqueue_dma source(%dma_start3A_123 : memref<128x128xf32, #tpu.memory_space<vmem>>) target(%dma_start3A_119 : memref<128x128xf32, #tpu.memory_space<hbm>>) target_semaphore(%arg12 : memref<!tpu.dma_semaphore, #tpu.memory_space<semaphore_mem>>)
    %dma_wait3A_124 = arith.constant 2 : i32
    %dma_wait3A_125 = arith.constant 2 : i32
    %dma_wait3A_126 = arith.constant 0 : i32
    %dma_wait3A_127 = arith.constant 0 : i32
    %dma_wait3A_128 = tpu.memref_slice %arg8[%dma_wait3A_125, %dma_wait3A_126, %dma_wait3A_127] : memref<4x128x128xf32, #tpu.memory_space<vmem>> -> memref<1x128x128xf32, #tpu.memory_space<vmem>>
    %dma_wait3A_129 = tpu.memref_squeeze %dma_wait3A_128 : memref<1x128x128xf32, #tpu.memory_space<vmem>> -> memref<128x128xf32, #tpu.memory_space<vmem>>
    %dma_wait3A_130 = arith.constant 0 : i32
    %dma_wait3A_131 = tpu.memref_slice %arg6[%dma_wait3A_124, %dma_wait3A_130] : memref<4x128xi32, #tpu.memory_space<vmem>> -> memref<1x128xi32, #tpu.memory_space<vmem>>
    %dma_wait3A_132 = tpu.memref_squeeze %dma_wait3A_131 : memref<1x128xi32, #tpu.memory_space<vmem>> -> memref<128xi32, #tpu.memory_space<vmem>>
    %dma_wait3A_133 = arith.constant 0 : i32
    %dma_wait3A_134 = arith.constant 0 : i32
    %dma_wait3A_135 = tpu.memref_slice %arg3[%dma_wait3A_133, %dma_wait3A_134] : memref<100000x128xf32, #tpu.memory_space<hbm>> -> memref<100000x128xf32, #tpu.memory_space<hbm>>
    tpu.wait_indirect_dma semaphore(%arg11 : memref<!tpu.dma_semaphore, #tpu.memory_space<semaphore_mem>>) src(%dma_wait3A_135 : memref<100000x128xf32, #tpu.memory_space<hbm>>) dst(%dma_wait3A_129 : memref<128x128xf32, #tpu.memory_space<vmem>>)
    %parallel_loop3A_136 = arith.constant 0 : i32
    %parallel_loop3A_137 = arith.constant 128 : i32
    %parallel_loop3A_138 = arith.constant 1 : i32
    scf.for %parallel_loop3A_236 = %parallel_loop3A_136 to %parallel_loop3A_137 step %parallel_loop3A_138  : i32 {
      %parallel_loop3A_237 = arith.index_cast %parallel_loop3A_236 : i32 to index
      %parallel_loop3A_238 = arith.constant 0 : index
      %parallel_loop3A_239 = tpu.vector_load %arg7[%parallel_loop3A_237, %parallel_loop3A_238] {strides = array<i32>} : memref<128x128xf32, #tpu.memory_space<vmem>>, vector<1x16xf32>,
      %parallel_loop3A_240 = vector.shape_cast %parallel_loop3A_239 : vector<1x16xf32> to vector<16xf32>
      %parallel_loop3A_241 = arith.constant 2 : i32
      %parallel_loop3A_242 = arith.index_cast %parallel_loop3A_241 : i32 to index
      %parallel_loop3A_243 = arith.index_cast %parallel_loop3A_236 : i32 to index
      %parallel_loop3A_244 = arith.constant 0 : index
      %parallel_loop3A_245 = tpu.vector_load %arg8[%parallel_loop3A_242, %parallel_loop3A_243, %parallel_loop3A_244] {strides = array<i32>} : memref<4x128x128xf32, #tpu.memory_space<vmem>>, vector<1x1x16xf32>,
      %parallel_loop3A_246 = vector.shape_cast %parallel_loop3A_245 : vector<1x1x16xf32> to vector<16xf32>
      %parallel_loop3A_247 = vector.shape_cast %parallel_loop3A_240 : vector<16xf32> to vector<1x1x16xf32>
      tpu.vector_store %arg8[%parallel_loop3A_242, %parallel_loop3A_243, %parallel_loop3A_244], %parallel_loop3A_247 {add = true, strides = array<i32>} : memref<4x128x128xf32, #tpu.memory_space<vmem>>, vector<1x1x16xf32>,
      %parallel_loop3A_248 = arith.index_cast %parallel_loop3A_236 : i32 to index
      %parallel_loop3A_249 = arith.constant 16 : index
      %parallel_loop3A_250 = tpu.vector_load %arg7[%parallel_loop3A_248, %parallel_loop3A_249] {strides = array<i32>} : memref<128x128xf32, #tpu.memory_space<vmem>>, vector<1x16xf32>,
      %parallel_loop3A_251 = vector.shape_cast %parallel_loop3A_250 : vector<1x16xf32> to vector<16xf32>
      %parallel_loop3A_252 = arith.constant 2 : i32
      %parallel_loop3A_253 = arith.index_cast %parallel_loop3A_252 : i32 to index
      %parallel_loop3A_254 = arith.index_cast %parallel_loop3A_236 : i32 to index
      %parallel_loop3A_255 = arith.constant 16 : index
      %parallel_loop3A_256 = tpu.vector_load %arg8[%parallel_loop3A_253, %parallel_loop3A_254, %parallel_loop3A_255] {strides = array<i32>} : memref<4x128x128xf32, #tpu.memory_space<vmem>>, vector<1x1x16xf32>,
      %parallel_loop3A_257 = vector.shape_cast %parallel_loop3A_256 : vector<1x1x16xf32> to vector<16xf32>
      %parallel_loop3A_258 = vector.shape_cast %parallel_loop3A_251 : vector<16xf32> to vector<1x1x16xf32>
      tpu.vector_store %arg8[%parallel_loop3A_253, %parallel_loop3A_254, %parallel_loop3A_255], %parallel_loop3A_258 {add = true, strides = array<i32>} : memref<4x128x128xf32, #tpu.memory_space<vmem>>, vector<1x1x16xf32>,
      %parallel_loop3A_259 = arith.index_cast %parallel_loop3A_236 : i32 to index
      %parallel_loop3A_260 = arith.constant 32 : index
      %parallel_loop3A_261 = tpu.vector_load %arg7[%parallel_loop3A_259, %parallel_loop3A_260] {strides = array<i32>} : memref<128x128xf32, #tpu.memory_space<vmem>>, vector<1x16xf32>,
      %parallel_loop3A_262 = vector.shape_cast %parallel_loop3A_261 : vector<1x16xf32> to vector<16xf32>
      %parallel_loop3A_263 = arith.constant 2 : i32
      %parallel_loop3A_264 = arith.index_cast %parallel_loop3A_263 : i32 to index
      %parallel_loop3A_265 = arith.index_cast %parallel_loop3A_236 : i32 to index
      %parallel_loop3A_266 = arith.constant 32 : index
      %parallel_loop3A_267 = tpu.vector_load %arg8[%parallel_loop3A_264, %parallel_loop3A_265, %parallel_loop3A_266] {strides = array<i32>} : memref<4x128x128xf32, #tpu.memory_space<vmem>>, vector<1x1x16xf32>,
      %parallel_loop3A_268 = vector.shape_cast %parallel_loop3A_267 : vector<1x1x16xf32> to vector<16xf32>
      %parallel_loop3A_269 = vector.shape_cast %parallel_loop3A_262 : vector<16xf32> to vector<1x1x16xf32>
      tpu.vector_store %arg8[%parallel_loop3A_264, %parallel_loop3A_265, %parallel_loop3A_266], %parallel_loop3A_269 {add = true, strides = array<i32>} : memref<4x128x128xf32, #tpu.memory_space<vmem>>, vector<1x1x16xf32>,
      %parallel_loop3A_270 = arith.index_cast %parallel_loop3A_236 : i32 to index
      %parallel_loop3A_271 = arith.constant 48 : index
      %parallel_loop3A_272 = tpu.vector_load %arg7[%parallel_loop3A_270, %parallel_loop3A_271] {strides = array<i32>} : memref<128x128xf32, #tpu.memory_space<vmem>>, vector<1x16xf32>,
      %parallel_loop3A_273 = vector.shape_cast %parallel_loop3A_272 : vector<1x16xf32> to vector<16xf32>
      %parallel_loop3A_274 = arith.constant 2 : i32
      %parallel_loop3A_275 = arith.index_cast %parallel_loop3A_274 : i32 to index
      %parallel_loop3A_276 = arith.index_cast %parallel_loop3A_236 : i32 to index
      %parallel_loop3A_277 = arith.constant 48 : index
      %parallel_loop3A_278 = tpu.vector_load %arg8[%parallel_loop3A_275, %parallel_loop3A_276, %parallel_loop3A_277] {strides = array<i32>} : memref<4x128x128xf32, #tpu.memory_space<vmem>>, vector<1x1x16xf32>,
      %parallel_loop3A_279 = vector.shape_cast %parallel_loop3A_278 : vector<1x1x16xf32> to vector<16xf32>
      %parallel_loop3A_280 = vector.shape_cast %parallel_loop3A_273 : vector<16xf32> to vector<1x1x16xf32>
      tpu.vector_store %arg8[%parallel_loop3A_275, %parallel_loop3A_276, %parallel_loop3A_277], %parallel_loop3A_280 {add = true, strides = array<i32>} : memref<4x128x128xf32, #tpu.memory_space<vmem>>, vector<1x1x16xf32>,
      %parallel_loop3A_281 = arith.index_cast %parallel_loop3A_236 : i32 to index
      %parallel_loop3A_282 = arith.constant 64 : index
      %parallel_loop3A_283 = tpu.vector_load %arg7[%parallel_loop3A_281, %parallel_loop3A_282] {strides = array<i32>} : memref<128x128xf32, #tpu.memory_space<vmem>>, vector<1x16xf32>,
      %parallel_loop3A_284 = vector.shape_cast %parallel_loop3A_283 : vector<1x16xf32> to vector<16xf32>
      %parallel_loop3A_285 = arith.constant 2 : i32
      %parallel_loop3A_286 = arith.index_cast %parallel_loop3A_285 : i32 to index
      %parallel_loop3A_287 = arith.index_cast %parallel_loop3A_236 : i32 to index
      %parallel_loop3A_288 = arith.constant 64 : index
      %parallel_loop3A_289 = tpu.vector_load %arg8[%parallel_loop3A_286, %parallel_loop3A_287, %parallel_loop3A_288] {strides = array<i32>} : memref<4x128x128xf32, #tpu.memory_space<vmem>>, vector<1x1x16xf32>,
      %parallel_loop3A_290 = vector.shape_cast %parallel_loop3A_289 : vector<1x1x16xf32> to vector<16xf32>
      %parallel_loop3A_291 = vector.shape_cast %parallel_loop3A_284 : vector<16xf32> to vector<1x1x16xf32>
      tpu.vector_store %arg8[%parallel_loop3A_286, %parallel_loop3A_287, %parallel_loop3A_288], %parallel_loop3A_291 {add = true, strides = array<i32>} : memref<4x128x128xf32, #tpu.memory_space<vmem>>, vector<1x1x16xf32>,
      %parallel_loop3A_292 = arith.index_cast %parallel_loop3A_236 : i32 to index
      %parallel_loop3A_293 = arith.constant 80 : index
      %parallel_loop3A_294 = tpu.vector_load %arg7[%parallel_loop3A_292, %parallel_loop3A_293] {strides = array<i32>} : memref<128x128xf32, #tpu.memory_space<vmem>>, vector<1x16xf32>,
      %parallel_loop3A_295 = vector.shape_cast %parallel_loop3A_294 : vector<1x16xf32> to vector<16xf32>
      %parallel_loop3A_296 = arith.constant 2 : i32
      %parallel_loop3A_297 = arith.index_cast %parallel_loop3A_296 : i32 to index
      %parallel_loop3A_298 = arith.index_cast %parallel_loop3A_236 : i32 to index
      %parallel_loop3A_299 = arith.constant 80 : index
      %parallel_loop3A_300 = tpu.vector_load %arg8[%parallel_loop3A_297, %parallel_loop3A_298, %parallel_loop3A_299] {strides = array<i32>} : memref<4x128x128xf32, #tpu.memory_space<vmem>>, vector<1x1x16xf32>,
      %parallel_loop3A_301 = vector.shape_cast %parallel_loop3A_300 : vector<1x1x16xf32> to vector<16xf32>
      %parallel_loop3A_302 = vector.shape_cast %parallel_loop3A_295 : vector<16xf32> to vector<1x1x16xf32>
      tpu.vector_store %arg8[%parallel_loop3A_297, %parallel_loop3A_298, %parallel_loop3A_299], %parallel_loop3A_302 {add = true, strides = array<i32>} : memref<4x128x128xf32, #tpu.memory_space<vmem>>, vector<1x1x16xf32>,
      %parallel_loop3A_303 = arith.index_cast %parallel_loop3A_236 : i32 to index
      %parallel_loop3A_304 = arith.constant 96 : index
      %parallel_loop3A_305 = tpu.vector_load %arg7[%parallel_loop3A_303, %parallel_loop3A_304] {strides = array<i32>} : memref<128x128xf32, #tpu.memory_space<vmem>>, vector<1x16xf32>,
      %parallel_loop3A_306 = vector.shape_cast %parallel_loop3A_305 : vector<1x16xf32> to vector<16xf32>
      %parallel_loop3A_307 = arith.constant 2 : i32
      %parallel_loop3A_308 = arith.index_cast %parallel_loop3A_307 : i32 to index
      %parallel_loop3A_309 = arith.index_cast %parallel_loop3A_236 : i32 to index
      %parallel_loop3A_310 = arith.constant 96 : index
      %parallel_loop3A_311 = tpu.vector_load %arg8[%parallel_loop3A_308, %parallel_loop3A_309, %parallel_loop3A_310] {strides = array<i32>} : memref<4x128x128xf32, #tpu.memory_space<vmem>>, vector<1x1x16xf32>,
      %parallel_loop3A_312 = vector.shape_cast %parallel_loop3A_311 : vector<1x1x16xf32> to vector<16xf32>
      %parallel_loop3A_313 = vector.shape_cast %parallel_loop3A_306 : vector<16xf32> to vector<1x1x16xf32>
      tpu.vector_store %arg8[%parallel_loop3A_308, %parallel_loop3A_309, %parallel_loop3A_310], %parallel_loop3A_313 {add = true, strides = array<i32>} : memref<4x128x128xf32, #tpu.memory_space<vmem>>, vector<1x1x16xf32>,
      %parallel_loop3A_314 = arith.index_cast %parallel_loop3A_236 : i32 to index
      %parallel_loop3A_315 = arith.constant 112 : index
      %parallel_loop3A_316 = tpu.vector_load %arg7[%parallel_loop3A_314, %parallel_loop3A_315] {strides = array<i32>} : memref<128x128xf32, #tpu.memory_space<vmem>>, vector<1x16xf32>,
      %parallel_loop3A_317 = vector.shape_cast %parallel_loop3A_316 : vector<1x16xf32> to vector<16xf32>
      %parallel_loop3A_318 = arith.constant 2 : i32
      %parallel_loop3A_319 = arith.index_cast %parallel_loop3A_318 : i32 to index
      %parallel_loop3A_320 = arith.index_cast %parallel_loop3A_236 : i32 to index
      %parallel_loop3A_321 = arith.constant 112 : index
      %parallel_loop3A_322 = tpu.vector_load %arg8[%parallel_loop3A_319, %parallel_loop3A_320, %parallel_loop3A_321] {strides = array<i32>} : memref<4x128x128xf32, #tpu.memory_space<vmem>>, vector<1x1x16xf32>,
      %parallel_loop3A_323 = vector.shape_cast %parallel_loop3A_322 : vector<1x1x16xf32> to vector<16xf32>
      %parallel_loop3A_324 = vector.shape_cast %parallel_loop3A_317 : vector<16xf32> to vector<1x1x16xf32>
      tpu.vector_store %arg8[%parallel_loop3A_319, %parallel_loop3A_320, %parallel_loop3A_321], %parallel_loop3A_324 {add = true, strides = array<i32>} : memref<4x128x128xf32, #tpu.memory_space<vmem>>, vector<1x1x16xf32>,
    } {sc.loop_unroll_factor = 4 : i64, sc.parallel_access}
    %add3A_139 = arith.constant 8192 : i32
    %add3A_140 = arith.addi %add3A_139, %mul3A_2 : i32
    %dma_start3A_141 = arith.constant 2 : i32
    %dma_start3A_142 = arith.constant 0 : i32
    %dma_start3A_143 = arith.constant 0 : i32
    %dma_start3A_144 = tpu.memref_slice %arg8[%dma_start3A_141, %dma_start3A_142, %dma_start3A_143] : memref<4x128x128xf32, #tpu.memory_space<vmem>> -> memref<1x128x128xf32, #tpu.memory_space<vmem>>
    %dma_start3A_145 = tpu.memref_squeeze %dma_start3A_144 : memref<1x128x128xf32, #tpu.memory_space<vmem>> -> memref<128x128xf32, #tpu.memory_space<vmem>>
    %dma_start3A_146 = arith.constant 0 : i32
    %dma_start3A_147 = tpu.memref_slice %arg5[%add3A_140, %dma_start3A_146] : memref<16384x128xf32, #tpu.memory_space<hbm>> -> memref<128x128xf32, #tpu.memory_space<hbm>>
    %dma_start3A_148 = arith.constant 0 : i32
    %dma_start3A_149 = tpu.memref_slice %arg5[%add3A_140, %dma_start3A_148] : memref<16384x128xf32, #tpu.memory_space<hbm>> -> memref<128x128xf32, #tpu.memory_space<hbm>>
    %dma_start3A_150 = arith.constant 0 : i32
    %dma_start3A_151 = arith.constant 0 : i32
    %dma_start3A_152 = tpu.memref_slice %arg8[%dma_start3A_141, %dma_start3A_150, %dma_start3A_151] : memref<4x128x128xf32, #tpu.memory_space<vmem>> -> memref<1x128x128xf32, #tpu.memory_space<vmem>>
    %dma_start3A_153 = tpu.memref_squeeze %dma_start3A_152 : memref<1x128x128xf32, #tpu.memory_space<vmem>> -> memref<128x128xf32, #tpu.memory_space<vmem>>
    tpu.enqueue_dma source(%dma_start3A_153 : memref<128x128xf32, #tpu.memory_space<vmem>>) target(%dma_start3A_149 : memref<128x128xf32, #tpu.memory_space<hbm>>) target_semaphore(%arg12 : memref<!tpu.dma_semaphore, #tpu.memory_space<semaphore_mem>>)
    %dma_wait3A_154 = arith.constant 3 : i32
    %dma_wait3A_155 = arith.constant 3 : i32
    %dma_wait3A_156 = arith.constant 0 : i32
    %dma_wait3A_157 = arith.constant 0 : i32
    %dma_wait3A_158 = tpu.memref_slice %arg8[%dma_wait3A_155, %dma_wait3A_156, %dma_wait3A_157] : memref<4x128x128xf32, #tpu.memory_space<vmem>> -> memref<1x128x128xf32, #tpu.memory_space<vmem>>
    %dma_wait3A_159 = tpu.memref_squeeze %dma_wait3A_158 : memref<1x128x128xf32, #tpu.memory_space<vmem>> -> memref<128x128xf32, #tpu.memory_space<vmem>>
    %dma_wait3A_160 = arith.constant 0 : i32
    %dma_wait3A_161 = tpu.memref_slice %arg6[%dma_wait3A_154, %dma_wait3A_160] : memref<4x128xi32, #tpu.memory_space<vmem>> -> memref<1x128xi32, #tpu.memory_space<vmem>>
    %dma_wait3A_162 = tpu.memref_squeeze %dma_wait3A_161 : memref<1x128xi32, #tpu.memory_space<vmem>> -> memref<128xi32, #tpu.memory_space<vmem>>
    %dma_wait3A_163 = arith.constant 0 : i32
    %dma_wait3A_164 = arith.constant 0 : i32
    %dma_wait3A_165 = tpu.memref_slice %arg3[%dma_wait3A_163, %dma_wait3A_164] : memref<100000x128xf32, #tpu.memory_space<hbm>> -> memref<100000x128xf32, #tpu.memory_space<hbm>>
    tpu.wait_indirect_dma semaphore(%arg11 : memref<!tpu.dma_semaphore, #tpu.memory_space<semaphore_mem>>) src(%dma_wait3A_165 : memref<100000x128xf32, #tpu.memory_space<hbm>>) dst(%dma_wait3A_159 : memref<128x128xf32, #tpu.memory_space<vmem>>)
    %parallel_loop3A_166 = arith.constant 0 : i32
    %parallel_loop3A_167 = arith.constant 128 : i32
    %parallel_loop3A_168 = arith.constant 1 : i32
    scf.for %parallel_loop3A_236 = %parallel_loop3A_166 to %parallel_loop3A_167 step %parallel_loop3A_168  : i32 {
      %parallel_loop3A_237 = arith.index_cast %parallel_loop3A_236 : i32 to index
      %parallel_loop3A_238 = arith.constant 0 : index
      %parallel_loop3A_239 = tpu.vector_load %arg7[%parallel_loop3A_237, %parallel_loop3A_238] {strides = array<i32>} : memref<128x128xf32, #tpu.memory_space<vmem>>, vector<1x16xf32>,
      %parallel_loop3A_240 = vector.shape_cast %parallel_loop3A_239 : vector<1x16xf32> to vector<16xf32>
      %parallel_loop3A_241 = arith.constant 3 : i32
      %parallel_loop3A_242 = arith.index_cast %parallel_loop3A_241 : i32 to index
      %parallel_loop3A_243 = arith.index_cast %parallel_loop3A_236 : i32 to index
      %parallel_loop3A_244 = arith.constant 0 : index
      %parallel_loop3A_245 = tpu.vector_load %arg8[%parallel_loop3A_242, %parallel_loop3A_243, %parallel_loop3A_244] {strides = array<i32>} : memref<4x128x128xf32, #tpu.memory_space<vmem>>, vector<1x1x16xf32>,
      %parallel_loop3A_246 = vector.shape_cast %parallel_loop3A_245 : vector<1x1x16xf32> to vector<16xf32>
      %parallel_loop3A_247 = vector.shape_cast %parallel_loop3A_240 : vector<16xf32> to vector<1x1x16xf32>
      tpu.vector_store %arg8[%parallel_loop3A_242, %parallel_loop3A_243, %parallel_loop3A_244], %parallel_loop3A_247 {add = true, strides = array<i32>} : memref<4x128x128xf32, #tpu.memory_space<vmem>>, vector<1x1x16xf32>,
      %parallel_loop3A_248 = arith.index_cast %parallel_loop3A_236 : i32 to index
      %parallel_loop3A_249 = arith.constant 16 : index
      %parallel_loop3A_250 = tpu.vector_load %arg7[%parallel_loop3A_248, %parallel_loop3A_249] {strides = array<i32>} : memref<128x128xf32, #tpu.memory_space<vmem>>, vector<1x16xf32>,
      %parallel_loop3A_251 = vector.shape_cast %parallel_loop3A_250 : vector<1x16xf32> to vector<16xf32>
      %parallel_loop3A_252 = arith.constant 3 : i32
      %parallel_loop3A_253 = arith.index_cast %parallel_loop3A_252 : i32 to index
      %parallel_loop3A_254 = arith.index_cast %parallel_loop3A_236 : i32 to index
      %parallel_loop3A_255 = arith.constant 16 : index
      %parallel_loop3A_256 = tpu.vector_load %arg8[%parallel_loop3A_253, %parallel_loop3A_254, %parallel_loop3A_255] {strides = array<i32>} : memref<4x128x128xf32, #tpu.memory_space<vmem>>, vector<1x1x16xf32>,
      %parallel_loop3A_257 = vector.shape_cast %parallel_loop3A_256 : vector<1x1x16xf32> to vector<16xf32>
      %parallel_loop3A_258 = vector.shape_cast %parallel_loop3A_251 : vector<16xf32> to vector<1x1x16xf32>
      tpu.vector_store %arg8[%parallel_loop3A_253, %parallel_loop3A_254, %parallel_loop3A_255], %parallel_loop3A_258 {add = true, strides = array<i32>} : memref<4x128x128xf32, #tpu.memory_space<vmem>>, vector<1x1x16xf32>,
      %parallel_loop3A_259 = arith.index_cast %parallel_loop3A_236 : i32 to index
      %parallel_loop3A_260 = arith.constant 32 : index
      %parallel_loop3A_261 = tpu.vector_load %arg7[%parallel_loop3A_259, %parallel_loop3A_260] {strides = array<i32>} : memref<128x128xf32, #tpu.memory_space<vmem>>, vector<1x16xf32>,
      %parallel_loop3A_262 = vector.shape_cast %parallel_loop3A_261 : vector<1x16xf32> to vector<16xf32>
      %parallel_loop3A_263 = arith.constant 3 : i32
      %parallel_loop3A_264 = arith.index_cast %parallel_loop3A_263 : i32 to index
      %parallel_loop3A_265 = arith.index_cast %parallel_loop3A_236 : i32 to index
      %parallel_loop3A_266 = arith.constant 32 : index
      %parallel_loop3A_267 = tpu.vector_load %arg8[%parallel_loop3A_264, %parallel_loop3A_265, %parallel_loop3A_266] {strides = array<i32>} : memref<4x128x128xf32, #tpu.memory_space<vmem>>, vector<1x1x16xf32>,
      %parallel_loop3A_268 = vector.shape_cast %parallel_loop3A_267 : vector<1x1x16xf32> to vector<16xf32>
      %parallel_loop3A_269 = vector.shape_cast %parallel_loop3A_262 : vector<16xf32> to vector<1x1x16xf32>
      tpu.vector_store %arg8[%parallel_loop3A_264, %parallel_loop3A_265, %parallel_loop3A_266], %parallel_loop3A_269 {add = true, strides = array<i32>} : memref<4x128x128xf32, #tpu.memory_space<vmem>>, vector<1x1x16xf32>,
      %parallel_loop3A_270 = arith.index_cast %parallel_loop3A_236 : i32 to index
      %parallel_loop3A_271 = arith.constant 48 : index
      %parallel_loop3A_272 = tpu.vector_load %arg7[%parallel_loop3A_270, %parallel_loop3A_271] {strides = array<i32>} : memref<128x128xf32, #tpu.memory_space<vmem>>, vector<1x16xf32>,
      %parallel_loop3A_273 = vector.shape_cast %parallel_loop3A_272 : vector<1x16xf32> to vector<16xf32>
      %parallel_loop3A_274 = arith.constant 3 : i32
      %parallel_loop3A_275 = arith.index_cast %parallel_loop3A_274 : i32 to index
      %parallel_loop3A_276 = arith.index_cast %parallel_loop3A_236 : i32 to index
      %parallel_loop3A_277 = arith.constant 48 : index
      %parallel_loop3A_278 = tpu.vector_load %arg8[%parallel_loop3A_275, %parallel_loop3A_276, %parallel_loop3A_277] {strides = array<i32>} : memref<4x128x128xf32, #tpu.memory_space<vmem>>, vector<1x1x16xf32>,
      %parallel_loop3A_279 = vector.shape_cast %parallel_loop3A_278 : vector<1x1x16xf32> to vector<16xf32>
      %parallel_loop3A_280 = vector.shape_cast %parallel_loop3A_273 : vector<16xf32> to vector<1x1x16xf32>
      tpu.vector_store %arg8[%parallel_loop3A_275, %parallel_loop3A_276, %parallel_loop3A_277], %parallel_loop3A_280 {add = true, strides = array<i32>} : memref<4x128x128xf32, #tpu.memory_space<vmem>>, vector<1x1x16xf32>,
      %parallel_loop3A_281 = arith.index_cast %parallel_loop3A_236 : i32 to index
      %parallel_loop3A_282 = arith.constant 64 : index
      %parallel_loop3A_283 = tpu.vector_load %arg7[%parallel_loop3A_281, %parallel_loop3A_282] {strides = array<i32>} : memref<128x128xf32, #tpu.memory_space<vmem>>, vector<1x16xf32>,
      %parallel_loop3A_284 = vector.shape_cast %parallel_loop3A_283 : vector<1x16xf32> to vector<16xf32>
      %parallel_loop3A_285 = arith.constant 3 : i32
      %parallel_loop3A_286 = arith.index_cast %parallel_loop3A_285 : i32 to index
      %parallel_loop3A_287 = arith.index_cast %parallel_loop3A_236 : i32 to index
      %parallel_loop3A_288 = arith.constant 64 : index
      %parallel_loop3A_289 = tpu.vector_load %arg8[%parallel_loop3A_286, %parallel_loop3A_287, %parallel_loop3A_288] {strides = array<i32>} : memref<4x128x128xf32, #tpu.memory_space<vmem>>, vector<1x1x16xf32>,
      %parallel_loop3A_290 = vector.shape_cast %parallel_loop3A_289 : vector<1x1x16xf32> to vector<16xf32>
      %parallel_loop3A_291 = vector.shape_cast %parallel_loop3A_284 : vector<16xf32> to vector<1x1x16xf32>
      tpu.vector_store %arg8[%parallel_loop3A_286, %parallel_loop3A_287, %parallel_loop3A_288], %parallel_loop3A_291 {add = true, strides = array<i32>} : memref<4x128x128xf32, #tpu.memory_space<vmem>>, vector<1x1x16xf32>,
      %parallel_loop3A_292 = arith.index_cast %parallel_loop3A_236 : i32 to index
      %parallel_loop3A_293 = arith.constant 80 : index
      %parallel_loop3A_294 = tpu.vector_load %arg7[%parallel_loop3A_292, %parallel_loop3A_293] {strides = array<i32>} : memref<128x128xf32, #tpu.memory_space<vmem>>, vector<1x16xf32>,
      %parallel_loop3A_295 = vector.shape_cast %parallel_loop3A_294 : vector<1x16xf32> to vector<16xf32>
      %parallel_loop3A_296 = arith.constant 3 : i32
      %parallel_loop3A_297 = arith.index_cast %parallel_loop3A_296 : i32 to index
      %parallel_loop3A_298 = arith.index_cast %parallel_loop3A_236 : i32 to index
      %parallel_loop3A_299 = arith.constant 80 : index
      %parallel_loop3A_300 = tpu.vector_load %arg8[%parallel_loop3A_297, %parallel_loop3A_298, %parallel_loop3A_299] {strides = array<i32>} : memref<4x128x128xf32, #tpu.memory_space<vmem>>, vector<1x1x16xf32>,
      %parallel_loop3A_301 = vector.shape_cast %parallel_loop3A_300 : vector<1x1x16xf32> to vector<16xf32>
      %parallel_loop3A_302 = vector.shape_cast %parallel_loop3A_295 : vector<16xf32> to vector<1x1x16xf32>
      tpu.vector_store %arg8[%parallel_loop3A_297, %parallel_loop3A_298, %parallel_loop3A_299], %parallel_loop3A_302 {add = true, strides = array<i32>} : memref<4x128x128xf32, #tpu.memory_space<vmem>>, vector<1x1x16xf32>,
      %parallel_loop3A_303 = arith.index_cast %parallel_loop3A_236 : i32 to index
      %parallel_loop3A_304 = arith.constant 96 : index
      %parallel_loop3A_305 = tpu.vector_load %arg7[%parallel_loop3A_303, %parallel_loop3A_304] {strides = array<i32>} : memref<128x128xf32, #tpu.memory_space<vmem>>, vector<1x16xf32>,
      %parallel_loop3A_306 = vector.shape_cast %parallel_loop3A_305 : vector<1x16xf32> to vector<16xf32>
      %parallel_loop3A_307 = arith.constant 3 : i32
      %parallel_loop3A_308 = arith.index_cast %parallel_loop3A_307 : i32 to index
      %parallel_loop3A_309 = arith.index_cast %parallel_loop3A_236 : i32 to index
      %parallel_loop3A_310 = arith.constant 96 : index
      %parallel_loop3A_311 = tpu.vector_load %arg8[%parallel_loop3A_308, %parallel_loop3A_309, %parallel_loop3A_310] {strides = array<i32>} : memref<4x128x128xf32, #tpu.memory_space<vmem>>, vector<1x1x16xf32>,
      %parallel_loop3A_312 = vector.shape_cast %parallel_loop3A_311 : vector<1x1x16xf32> to vector<16xf32>
      %parallel_loop3A_313 = vector.shape_cast %parallel_loop3A_306 : vector<16xf32> to vector<1x1x16xf32>
      tpu.vector_store %arg8[%parallel_loop3A_308, %parallel_loop3A_309, %parallel_loop3A_310], %parallel_loop3A_313 {add = true, strides = array<i32>} : memref<4x128x128xf32, #tpu.memory_space<vmem>>, vector<1x1x16xf32>,
      %parallel_loop3A_314 = arith.index_cast %parallel_loop3A_236 : i32 to index
      %parallel_loop3A_315 = arith.constant 112 : index
      %parallel_loop3A_316 = tpu.vector_load %arg7[%parallel_loop3A_314, %parallel_loop3A_315] {strides = array<i32>} : memref<128x128xf32, #tpu.memory_space<vmem>>, vector<1x16xf32>,
      %parallel_loop3A_317 = vector.shape_cast %parallel_loop3A_316 : vector<1x16xf32> to vector<16xf32>
      %parallel_loop3A_318 = arith.constant 3 : i32
      %parallel_loop3A_319 = arith.index_cast %parallel_loop3A_318 : i32 to index
      %parallel_loop3A_320 = arith.index_cast %parallel_loop3A_236 : i32 to index
      %parallel_loop3A_321 = arith.constant 112 : index
      %parallel_loop3A_322 = tpu.vector_load %arg8[%parallel_loop3A_319, %parallel_loop3A_320, %parallel_loop3A_321] {strides = array<i32>} : memref<4x128x128xf32, #tpu.memory_space<vmem>>, vector<1x1x16xf32>,
      %parallel_loop3A_323 = vector.shape_cast %parallel_loop3A_322 : vector<1x1x16xf32> to vector<16xf32>
      %parallel_loop3A_324 = vector.shape_cast %parallel_loop3A_317 : vector<16xf32> to vector<1x1x16xf32>
      tpu.vector_store %arg8[%parallel_loop3A_319, %parallel_loop3A_320, %parallel_loop3A_321], %parallel_loop3A_324 {add = true, strides = array<i32>} : memref<4x128x128xf32, #tpu.memory_space<vmem>>, vector<1x1x16xf32>,
    } {sc.loop_unroll_factor = 4 : i64, sc.parallel_access}
    %add3A_169 = arith.constant 12288 : i32
    %add3A_170 = arith.addi %add3A_169, %mul3A_2 : i32
    %dma_start3A_171 = arith.constant 3 : i32
    %dma_start3A_172 = arith.constant 0 : i32
    %dma_start3A_173 = arith.constant 0 : i32
    %dma_start3A_174 = tpu.memref_slice %arg8[%dma_start3A_171, %dma_start3A_172, %dma_start3A_173] : memref<4x128x128xf32, #tpu.memory_space<vmem>> -> memref<1x128x128xf32, #tpu.memory_space<vmem>>
    %dma_start3A_175 = tpu.memref_squeeze %dma_start3A_174 : memref<1x128x128xf32, #tpu.memory_space<vmem>> -> memref<128x128xf32, #tpu.memory_space<vmem>>
    %dma_start3A_176 = arith.constant 0 : i32
    %dma_start3A_177 = tpu.memref_slice %arg5[%add3A_170, %dma_start3A_176] : memref<16384x128xf32, #tpu.memory_space<hbm>> -> memref<128x128xf32, #tpu.memory_space<hbm>>
    %dma_start3A_178 = arith.constant 0 : i32
    %dma_start3A_179 = tpu.memref_slice %arg5[%add3A_170, %dma_start3A_178] : memref<16384x128xf32, #tpu.memory_space<hbm>> -> memref<128x128xf32, #tpu.memory_space<hbm>>
    %dma_start3A_180 = arith.constant 0 : i32
    %dma_start3A_181 = arith.constant 0 : i32
    %dma_start3A_182 = tpu.memref_slice %arg8[%dma_start3A_171, %dma_start3A_180, %dma_start3A_181] : memref<4x128x128xf32, #tpu.memory_space<vmem>> -> memref<1x128x128xf32, #tpu.memory_space<vmem>>
    %dma_start3A_183 = tpu.memref_squeeze %dma_start3A_182 : memref<1x128x128xf32, #tpu.memory_space<vmem>> -> memref<128x128xf32, #tpu.memory_space<vmem>>
    tpu.enqueue_dma source(%dma_start3A_183 : memref<128x128xf32, #tpu.memory_space<vmem>>) target(%dma_start3A_179 : memref<128x128xf32, #tpu.memory_space<hbm>>) target_semaphore(%arg12 : memref<!tpu.dma_semaphore, #tpu.memory_space<semaphore_mem>>)
    %dma_wait3A_184 = arith.constant 0 : i32
    %dma_wait3A_185 = arith.constant 0 : i32
    %dma_wait3A_186 = arith.constant 0 : i32
    %dma_wait3A_187 = tpu.memref_slice %arg8[%dma_wait3A_184, %dma_wait3A_185, %dma_wait3A_186] : memref<4x128x128xf32, #tpu.memory_space<vmem>> -> memref<1x128x128xf32, #tpu.memory_space<vmem>>
    %dma_wait3A_188 = tpu.memref_squeeze %dma_wait3A_187 : memref<1x128x128xf32, #tpu.memory_space<vmem>> -> memref<128x128xf32, #tpu.memory_space<vmem>>
    %dma_wait3A_189 = arith.constant 0 : i32
    %dma_wait3A_190 = tpu.memref_slice %arg5[%add3A_80, %dma_wait3A_189] : memref<16384x128xf32, #tpu.memory_space<hbm>> -> memref<128x128xf32, #tpu.memory_space<hbm>>
    %dma_wait3A_191 = arith.constant 0 : i32
    %dma_wait3A_192 = tpu.memref_slice %arg5[%add3A_80, %dma_wait3A_191] : memref<16384x128xf32, #tpu.memory_space<hbm>> -> memref<128x128xf32, #tpu.memory_space<hbm>>
    %dma_wait3A_193 = arith.constant 0 : i32
    %dma_wait3A_194 = arith.constant 0 : i32
    %dma_wait3A_195 = tpu.memref_slice %arg8[%dma_wait3A_184, %dma_wait3A_193, %dma_wait3A_194] : memref<4x128x128xf32, #tpu.memory_space<vmem>> -> memref<1x128x128xf32, #tpu.memory_space<vmem>>
    %dma_wait3A_196 = tpu.memref_squeeze %dma_wait3A_195 : memref<1x128x128xf32, #tpu.memory_space<vmem>> -> memref<128x128xf32, #tpu.memory_space<vmem>>
    tpu.wait_dma2 semaphore(%arg12 : memref<!tpu.dma_semaphore, #tpu.memory_space<semaphore_mem>>) src(%dma_wait3A_196 : memref<128x128xf32, #tpu.memory_space<vmem>>) dst(%dma_wait3A_192 : memref<128x128xf32, #tpu.memory_space<hbm>>)
    %dma_wait3A_197 = arith.constant 1 : i32
    %dma_wait3A_198 = arith.constant 0 : i32
    %dma_wait3A_199 = arith.constant 0 : i32
    %dma_wait3A_200 = tpu.memref_slice %arg8[%dma_wait3A_197, %dma_wait3A_198, %dma_wait3A_199] : memref<4x128x128xf32, #tpu.memory_space<vmem>> -> memref<1x128x128xf32, #tpu.memory_space<vmem>>
    %dma_wait3A_201 = tpu.memref_squeeze %dma_wait3A_200 : memref<1x128x128xf32, #tpu.memory_space<vmem>> -> memref<128x128xf32, #tpu.memory_space<vmem>>
    %dma_wait3A_202 = arith.constant 0 : i32
    %dma_wait3A_203 = tpu.memref_slice %arg5[%add3A_110, %dma_wait3A_202] : memref<16384x128xf32, #tpu.memory_space<hbm>> -> memref<128x128xf32, #tpu.memory_space<hbm>>
    %dma_wait3A_204 = arith.constant 0 : i32
    %dma_wait3A_205 = tpu.memref_slice %arg5[%add3A_110, %dma_wait3A_204] : memref<16384x128xf32, #tpu.memory_space<hbm>> -> memref<128x128xf32, #tpu.memory_space<hbm>>
    %dma_wait3A_206 = arith.constant 0 : i32
    %dma_wait3A_207 = arith.constant 0 : i32
    %dma_wait3A_208 = tpu.memref_slice %arg8[%dma_wait3A_197, %dma_wait3A_206, %dma_wait3A_207] : memref<4x128x128xf32, #tpu.memory_space<vmem>> -> memref<1x128x128xf32, #tpu.memory_space<vmem>>
    %dma_wait3A_209 = tpu.memref_squeeze %dma_wait3A_208 : memref<1x128x128xf32, #tpu.memory_space<vmem>> -> memref<128x128xf32, #tpu.memory_space<vmem>>
    tpu.wait_dma2 semaphore(%arg12 : memref<!tpu.dma_semaphore, #tpu.memory_space<semaphore_mem>>) src(%dma_wait3A_209 : memref<128x128xf32, #tpu.memory_space<vmem>>) dst(%dma_wait3A_205 : memref<128x128xf32, #tpu.memory_space<hbm>>)
    %dma_wait3A_210 = arith.constant 2 : i32
    %dma_wait3A_211 = arith.constant 0 : i32
    %dma_wait3A_212 = arith.constant 0 : i32
    %dma_wait3A_213 = tpu.memref_slice %arg8[%dma_wait3A_210, %dma_wait3A_211, %dma_wait3A_212] : memref<4x128x128xf32, #tpu.memory_space<vmem>> -> memref<1x128x128xf32, #tpu.memory_space<vmem>>
    %dma_wait3A_214 = tpu.memref_squeeze %dma_wait3A_213 : memref<1x128x128xf32, #tpu.memory_space<vmem>> -> memref<128x128xf32, #tpu.memory_space<vmem>>
    %dma_wait3A_215 = arith.constant 0 : i32
    %dma_wait3A_216 = tpu.memref_slice %arg5[%add3A_140, %dma_wait3A_215] : memref<16384x128xf32, #tpu.memory_space<hbm>> -> memref<128x128xf32, #tpu.memory_space<hbm>>
    %dma_wait3A_217 = arith.constant 0 : i32
    %dma_wait3A_218 = tpu.memref_slice %arg5[%add3A_140, %dma_wait3A_217] : memref<16384x128xf32, #tpu.memory_space<hbm>> -> memref<128x128xf32, #tpu.memory_space<hbm>>
    %dma_wait3A_219 = arith.constant 0 : i32
    %dma_wait3A_220 = arith.constant 0 : i32
    %dma_wait3A_221 = tpu.memref_slice %arg8[%dma_wait3A_210, %dma_wait3A_219, %dma_wait3A_220] : memref<4x128x128xf32, #tpu.memory_space<vmem>> -> memref<1x128x128xf32, #tpu.memory_space<vmem>>
    %dma_wait3A_222 = tpu.memref_squeeze %dma_wait3A_221 : memref<1x128x128xf32, #tpu.memory_space<vmem>> -> memref<128x128xf32, #tpu.memory_space<vmem>>
    tpu.wait_dma2 semaphore(%arg12 : memref<!tpu.dma_semaphore, #tpu.memory_space<semaphore_mem>>) src(%dma_wait3A_222 : memref<128x128xf32, #tpu.memory_space<vmem>>) dst(%dma_wait3A_218 : memref<128x128xf32, #tpu.memory_space<hbm>>)
    %dma_wait3A_223 = arith.constant 3 : i32
    %dma_wait3A_224 = arith.constant 0 : i32
    %dma_wait3A_225 = arith.constant 0 : i32
    %dma_wait3A_226 = tpu.memref_slice %arg8[%dma_wait3A_223, %dma_wait3A_224, %dma_wait3A_225] : memref<4x128x128xf32, #tpu.memory_space<vmem>> -> memref<1x128x128xf32, #tpu.memory_space<vmem>>
    %dma_wait3A_227 = tpu.memref_squeeze %dma_wait3A_226 : memref<1x128x128xf32, #tpu.memory_space<vmem>> -> memref<128x128xf32, #tpu.memory_space<vmem>>
    %dma_wait3A_228 = arith.constant 0 : i32
    %dma_wait3A_229 = tpu.memref_slice %arg5[%add3A_170, %dma_wait3A_228] : memref<16384x128xf32, #tpu.memory_space<hbm>> -> memref<128x128xf32, #tpu.memory_space<hbm>>
    %dma_wait3A_230 = arith.constant 0 : i32
    %dma_wait3A_231 = tpu.memref_slice %arg5[%add3A_170, %dma_wait3A_230] : memref<16384x128xf32, #tpu.memory_space<hbm>> -> memref<128x128xf32, #tpu.memory_space<hbm>>
    %dma_wait3A_232 = arith.constant 0 : i32
    %dma_wait3A_233 = arith.constant 0 : i32
    %dma_wait3A_234 = tpu.memref_slice %arg8[%dma_wait3A_223, %dma_wait3A_232, %dma_wait3A_233] : memref<4x128x128xf32, #tpu.memory_space<vmem>> -> memref<1x128x128xf32, #tpu.memory_space<vmem>>
    %dma_wait3A_235 = tpu.memref_squeeze %dma_wait3A_234 : memref<1x128x128xf32, #tpu.memory_space<vmem>> -> memref<128x128xf32, #tpu.memory_space<vmem>>
    tpu.wait_dma2 semaphore(%arg12 : memref<!tpu.dma_semaphore, #tpu.memory_space<semaphore_mem>>) src(%dma_wait3A_235 : memref<128x128xf32, #tpu.memory_space<vmem>>) dst(%dma_wait3A_231 : memref<128x128xf32, #tpu.memory_space<hbm>>)
    return
  }
}

</mosaic_0001>

<sc_bundles>
// kernel: kernel.3.cloned.1.call-start
scs
__scs_entry_jumppad:
0x0: {  	(pc) =	sbr.rel $0x88, $3  }
0x1: {  	(tag) =	ssettag $0x0;
	lr =	simm.s32 $0x1  }
0x2: {  	[smem:$0x3F9E] =	sst lr;
	_ =	strace $0xD0000000  }
0x3: {  	_ = 	snop  }
0x4: {  	_ = 	snop  }
0x5: {  	_ = 	snop  }
0x6: {  	_ = 	snop  }
0x7: {  	_ = 	snop  }
__scs_overlays_trampoline_lowered:
0x8: {  	[smem:$0x3FAD] =	sst s0  }
0x9: {  	[smem:$0x3FAE] =	sst s1  }
0xa: {  	[smem:$0x3FAF] =	sst s2  }
0xb: {  	[smem:$0x3FB0] =	sst s3  }
0xc: {  	[smem:$0x3FB1] =	sst s4  }
0xd: {  	[smem:$0x3FB2] =	sst s5  }
0xe: {  	[smem:$0x3FB3] =	sst s6  }
0xf: {  	[smem:$0x3FB4] =	sst s7  }
0x10: {  	[smem:$0x3FB5] =	sst s8  }
0x11: {  	[smem:$0x3FB6] =	sst s9;
	s0 =	simm.s32 @!p0 $0x0  }
0x12: {  	s1 =	sld [smem:$0x3F9C];
	s0 =	simm.s32 @p0 $0x1  }
0x13: {  	[smem:$0x3FB7] =	sst s0;
	s0 =	simm.s32 @!p1 $0x0  }
0x14: {  	s2 =	sld [smem:$0x3F9B];
	s0 =	simm.s32 @p1 $0x1  }
0x15: {  	[smem:$0x3FB8] =	sst s0;
	s0 =	simm.s32 @!p2 $0x0  }
0x16: {  	s3 =	sld [smem:$0x3FDB];
	s0 =	simm.s32 @p2 $0x1  }
0x17: {  	s4 =	simm.s32 $0x1BF5;
	[smem:$0x3FBA] =	sst s0  }
0x18: {  	s0 =	sld [smem:$0x3F9D];
	_ =	swait.ge [sflag:s4], $0x0  }
0x19: {  	s7 =	sld [smem:$0x3F9E]  }
0x1a: {  	s8 =	sadd.s32 $0xFFFFE003, lr  }
0x1b: {  	s9 =	sadd.s32 $0xFFFFFEF7, lr;
	s5 =	simm.s32 $0xFFFFFFFF;
	p2 =	slt.u32 s8, $0xFFFFF086  }
0x1c: {  	p1 =	slt.u32 s9, $0xF7A;
	s5 =	simm.s32 @!p2 $0x0  }
0x1d: {  	s5 =	simm.s32 @p1 $0x1;
	p0 =	seq.s32 s7, s2  }
0x1e: {  	s7 =	smul.u32 @!p0 $0xF7A, s2;
	p2 =	seq.s32 @!p0 s5, $0x0  }
0x1f: {  	s9 =	smul.u32 $0xF7A, s1;
	s8 =	simm.s32 @!p0 $0x1BF5;
	p2 =	por !p2, p0  }
0x20: {  	[sflag:s8] =	ssyncset.s32 @!p0 $0xFFFFF086;
	s6 =	sadd.s32 @!p0 s3, s7;
	s7 =	simm.s32 @!p0 $0x108  }
0x21: {  	s3 =	sadd.s32 s3, s9;
	s6 =	sadd.s32 @!p0 $0x88, s6;
	s7 =	simm.s32 @p2 $0x1082  }
0x22: {  	[simem:s7], [sflag:s8] =	dma.local @!p0 [hbm:s6], $0xF7A  }
0x23: {  	s9 =	sor.u32 $0xD0000000, s2;
	s6 =	simm.s32 $0x108;
	_ =	swait.ge @!p0 [sflag:s8], $0x0  }
0x24: {  	s3 =	sadd.s32 $0x88, s3;
	s6 =	simm.s32 @!p1 $0x1082;
	[sflag:s4] =	ssyncset.s32 $0xFFFFF086  }
0x25: {  	[simem:s6], [sflag:s4] =	dma.local [hbm:s3], $0xF7A  }
0x26: {  	[smem:$0x3F9E] =	sst s1;
	(tag) =	ssettag s2;
	_ =	strace s9  }
0x27: {  	s1 =	sld [smem:$0x3FAE]  }
0x28: {  	s2 =	sld [smem:$0x3FAF]  }
0x29: {  	s4 =	sld [smem:$0x3FB1]  }
0x2a: {  	p0 =	seq.s32 s5, $0x0;
	s5 =	sld [smem:$0x3FB2]  }
0x2b: {  	s6 =	sld [smem:$0x3FB3]  }
0x2c: {  	s7 =	sld [smem:$0x3FB4]  }
0x2d: {  	s3 =	simm.s32 $0x108;
	s8 =	sld [smem:$0x3FB5]  }
0x2e: {  	s3 =	simm.s32 @!p0 $0x1082;
	s9 =	sld [smem:$0x3FB6]  }
0x2f: {  	lr =	sadd.s32 s0, s3;
	s0 =	sld [smem:$0x3FAD]  }
0x30: {  	s3 =	sld [smem:$0x3FB0]  }
0x31: {  	[smem:$0x3FB9] =	sst s10  }
0x32: {  	s10 =	sld [smem:$0x3FB7];
	_ =	sdelay $0x3  }
0x33: {  	p0 =	seq.s32 s10, $0x1;
	s10 =	sld [smem:$0x3FB9];
	_ =	sdelay $0x3  }
0x34: {  	[smem:$0x3FB9] =	sst s10  }
0x35: {  	s10 =	sld [smem:$0x3FB8];
	_ =	sdelay $0x3  }
0x36: {  	p1 =	seq.s32 s10, $0x1;
	s10 =	sld [smem:$0x3FB9];
	_ =	sdelay $0x3  }
0x37: {  	[smem:$0x3FB9] =	sst s10  }
0x38: {  	s10 =	sld [smem:$0x3FBA]  }
0x39: {  	_ = 	snop;
	(pc) =	sbr.ind lr, $3  }
0x3a: {  	_ = 	snop  }
0x3b: {  	_ = 	snop  }
0x3c: {  	p2 =	seq.s32 s10, $0x1;
	s10 =	sld [smem:$0x3FB9]  }
0x3d: {  	_ =	shalt  }
0x3e: {  	_ =	shalt  }
0x3f: {  	_ =	shalt  }
0x40: {  	_ =	shalt  }
0x41: {  	_ =	shalt  }
0x42: {  	_ =	shalt  }
0x43: {  	_ =	shalt  }
0x44: {  	_ =	shalt  }
0x45: {  	_ =	shalt  }
0x46: {  	_ =	shalt  }
0x47: {  	_ =	shalt  }
0x48: {  	_ =	shalt  }
0x49: {  	_ =	shalt  }
0x4a: {  	_ =	shalt  }
0x4b: {  	_ =	shalt  }
0x4c: {  	_ =	shalt  }
0x4d: {  	_ =	shalt  }
0x4e: {  	_ =	shalt  }
0x4f: {  	_ =	shalt  }
0x50: {  	_ =	shalt  }
0x51: {  	_ =	shalt  }
0x52: {  	_ =	shalt  }
0x53: {  	_ =	shalt  }
0x54: {  	_ =	shalt  }
0x55: {  	_ =	shalt  }
0x56: {  	_ =	shalt  }
0x57: {  	_ =	shalt  }
0x58: {  	_ =	shalt  }
0x59: {  	_ =	shalt  }
0x5a: {  	_ =	shalt  }
0x5b: {  	_ =	shalt  }
0x5c: {  	_ =	shalt  }
0x5d: {  	_ =	shalt  }
0x5e: {  	_ =	shalt  }
0x5f: {  	_ =	shalt  }
0x60: {  	_ =	shalt  }
0x61: {  	_ =	shalt  }
0x62: {  	_ =	shalt  }
0x63: {  	_ =	shalt  }
0x64: {  	_ =	shalt  }
0x65: {  	_ =	shalt  }
0x66: {  	_ =	shalt  }
0x67: {  	_ =	shalt  }
0x68: {  	_ =	shalt  }
0x69: {  	_ =	shalt  }
0x6a: {  	_ =	shalt  }
0x6b: {  	_ =	shalt  }
0x6c: {  	_ =	shalt  }
0x6d: {  	_ =	shalt  }
0x6e: {  	_ =	shalt  }
0x6f: {  	_ =	shalt  }
0x70: {  	_ =	shalt  }
0x71: {  	_ =	shalt  }
0x72: {  	_ =	shalt  }
0x73: {  	_ =	shalt  }
0x74: {  	_ =	shalt  }
0x75: {  	_ =	shalt  }
0x76: {  	_ =	shalt  }
0x77: {  	_ =	shalt  }
0x78: {  	_ =	shalt  }
0x79: {  	_ =	shalt  }
0x7a: {  	_ =	shalt  }
0x7b: {  	_ =	shalt  }
0x7c: {  	_ =	shalt  }
0x7d: {  	_ =	shalt  }
0x7e: {  	_ =	shalt  }
0x7f: {  	_ =	shalt  }
0x80: {  	_ =	shalt  }
0x81: {  	_ =	shalt  }
0x82: {  	_ =	shalt  }
0x83: {  	_ =	shalt  }
0x84: {  	_ =	shalt  }
0x85: {  	_ =	shalt  }
0x86: {  	_ =	shalt  }
0x87: {  	_ =	shalt  }
.Lfunc_end0:
.L_simem_size_0:
called_computation_lowered:
.L_overlay_start_0:
0x88: {  	s2 =	sld [smem:$0x3FD9]  }
0x89: {  	s3 =	sld [smem:$0x3FFE];
	_ =	sdelay $0x1  }
0x8a: {  	s1 =	srdreg.scid  }
0x8b: {  	s0 =	sand.u32 $0x1, s1  }
0x8c: {  	s18 =	sshll.u32 s0, $0xA;
	s2 =	sadd.s32 s3, s2  }
0x8d: {  	s2 =	sadd.s32 s2, s18  }
0x8e: {  	[smem:$0x3FC5] =	sst s2  }
0x8f: {  	_ = 	snop  }
0x90: {  	s2 =	sld [smem:$0x3FC9]  }
0x91: {  	s19 =	sld [smem:$0x3FC8]  }
0x92: {  	s4 =	sld [smem:$0x3FC7]  }
0x93: {  	s5 =	sld [smem:$0x3FD0];
	(tm) =	ssettm $0x1  }
0x94: {  	s6 =	sld [smem:$0x3FFB];
	_ =	sdelay $0x3  }
0x95: {  	_ =	strace s6  }
0x96: {  	s6 =	sld [smem:$0x3FFC];
	_ =	sdelay $0x3  }
0x97: {  	_ =	strace s6  }
0x98: {  	s6 =	sld [smem:$0x3FFD];
	_ =	sdelay $0x3  }
0x99: {  	_ =	strace s6  }
0x9a: {  	_ =	strace $0x8FFFFFFF  }
0x9b: {  	s20 =	sld [smem:$0x3FDB];
	_ =	sdelay $0x1  }
0x9c: {  	s7 =	simm.s32 $_scs_section_size  }
0x9d: {  	s8 =	simm.s32 $_size__tile_overlayer_lowered;
	s9 =	simm.s32 $_tile_overlayer_lowered  }
0x9e: {  	s23 =	simm.s32 $0x1BFF;
	s22 =	sshll.u32 s9, $0x1;
	s6 =	sadd.s32 s7, s20  }
0x9f: {  	s10 =	simm.s32 $0x0;
	s21 =	sshll.u32 s8, $0x1;
	s8 =	sadd.s32 s22, s6  }
0xa0: {  	[timem:s10], [sflag:s23] =	dma.local [hbm:s8], s21  }
0xa1: {  	_ =	swait.ge [sflag:s23], s21  }
0xa2: {  	s7 =	ssub.s32 $0x0, s21;
	[sflag:s23] =	ssyncset.done $0x0  }
0xa3: {  	[sflag:s23] =	ssyncadd.s32 s7;
	_ =	sdelay $0x1  }
0xa4: {  	s24 =	simm.s32 $0x1B8B  }
0xa5: {  	_ =	swait.ge [sflag:s24], $0x1  }
0xa6: {  	[sflag:s24] =	ssyncset.done $0x0  }
0xa7: {  	s25 =	simm.s32 $0x1B8E;
	[sflag:s24] =	ssyncadd.s32 $0xFFFFFFFF  }
0xa8: {  	s26 =	simm.s32 $execute0_lowered;
	[smem:$0x3FD2] =	sst s25  }
0xa9: {  	s7 =	sshll.u32 s26, $0x1;
	_ =	strace $0x80000046;
	[dreg:$0x1] =	wrdreg $0xFFFFFFFF  }
0xaa: {  	s28 =	simm.s32 $_size_execute0_lowered;
	s6 =	sadd.s32 s6, s7;
	[dreg:$0x0] =	wrdreg $0x0  }
0xab: {  	s7 =	sshll.u32 s28, $0x1;
	[dreg:$0x2] =	wrdreg s6  }
0xac: {  	[dreg:$0x3] =	wrdreg s7  }
0xad: {  	[dreg:$0x4] =	wrdreg $0xC0  }
0xae: {  	_ =	task [dreg:s10], $0x5FFFF  }
0xaf: {  	[dreg:$0x1] =	wrdreg $0xFFFFFFFF  }
0xb0: {  	[dreg:$0x0] =	wrdreg $0x60  }
0xb1: {  	[dreg:$0x2] =	wrdreg s2  }
0xb2: {  	[dreg:$0x3] =	wrdreg s19  }
0xb3: {  	[dreg:$0x4] =	wrdreg s4  }
0xb4: {  	[dreg:$0x5] =	wrdreg s5  }
0xb5: {  	[dreg:$0x6] =	wrdreg $0x9  }
0xb6: {  	_ =	task.clear_ibuf [dreg:s10], $0x7FFFF;
	_ =	strace $0x90000046  }
0xb7: {  	s29 =	simm.s32 $0x9;
	_ =	strace $0x80000048  }
0xb8: {  	_ =	swait.ge [sflag:s29], $0x1  }
0xb9: {  	[sflag:s29] =	ssyncadd.s32 $0xFFFFFFFF  }
0xba: {  	_ =	strace $0x90000048  }
0xbb: {  	_ =	sfence  }
0xbc: {  	s30 =	sld [smem:$0x0];
	_ =	sdelay $0x2  }
0xbd: {  	s31 =	sshll.u32 s1, $0xD;
	s1 =	sshrl.u32 s1, $0x2  }
0xbe: {  	s3 =	sand.u32 $0x4000, s31;
	s1 =	sadd.s32 s1, s30  }
0xbf: {  	s0 =	sor.u32 s3, s0;
	s1 =	sshll.u32 s1, $0x11  }
0xc0: {  	s0 =	sor.u32 s1, s0  }
0xc1: {  	s0 =	sadd.s32 $0x8F2B, s0  }
0xc2: {  	[sflag:s0] =	ssyncadd.remote.s32 $0x1  }
0xc3: {  	_ =	sfence.sel $0xFFFF  }
0xc4: {  	[dreg:$0x0] =	wrdreg $0xFFFFFFFF;
	(pc) =	sbr.abs _section_cstart, $3  }
0xc5: {  	[dreg:$0x1] =	wrdreg $0xFFFFFFFF  }
0xc6: {  	_ =	task.clear_ibuf [dreg:s10], $0x2FFFF;
	_ =	strace $0x9FFFFFFF  }
0xc7: {  	(tm) =	ssettm $0x7FFFFFFF  }
tec
execute0_lowered:
.L_overlay_start_1:
0x0: {  	(tag) =	ssettag $0x1  }
0x1: {  	s4 =	rddreg [dreg:$0x0]  }
0x2: {  	s1 =	rddreg [dreg:$0x1]  }
0x3: {  	s6 =	rddreg [dreg:$0x2]  }
0x4: {  	s5 =	rddreg [dreg:$0x3]  }
0x5: {  	s0 =	rddreg [dreg:$0x4];
	s7 =	srdreg.scid  }
0x6: {  	s3 =	simm.s32 $0x0;
	s2 =	stileid.u32;
	s12 =	simm.s32 $0x2  }
0x7: {  	s13 =	simm.s32 $0x80;
	s14 =	simm.s32 $0x4200;
	s15 =	simm.s32 $0x8200  }
0x8: {  	s16 =	simm.s32 $0x100;
	s17 =	simm.s32 $0xC200;
	s18 =	simm.s32 $0x180  }
0x9: {  	s19 =	simm.s32 $0x10200;
	s20 =	simm.s32 $0x3;
	s21 =	simm.s32 $0x1  }
0xa: {  	s22 =	simm.s32 $0x4;
	s23 =	simm.s32 $0x0;
	s7 =	sand.u32 $0x1, s7  }
0xb: {  	[smem:$0x7FF] =	sst s3;
	s8 =	sshll.u32 s2, $0x8;
	s9 =	sshll.u32 s7, $0x7  }
0xc: {  	_ =	strace $0x80000047;
	s7 =	ssub.s32 $0x2, s7;
	s8 =	sor.u32 s9, s8  }
0xd: {  	s31 =	sshrl.u32 s7, $0x1;
	s10 =	sshrl.u32 s8, $0x1;
	s8 =	sshll.u32 s8, $0x4  }
0xe: {  	s11 =	ssub.s32 s7, s31;
	s4 =	sadd.s32 s4, s10;
	s5 =	sadd.s32 s5, s8  }
0xf: {  	s6 =	sadd.s32 s6, s8;
	s10 =	smax.u32 s11, $0x1;
	s11 =	simm.s32 $0x200  }
0x10: {  	s7 =	sadd.s32 $0x10000, s5;
	s8 =	sadd.s32 $0x20000, s5;
	s9 =	sadd.s32 $0x30000, s5  }
.LBB2_1:
0x11: {  	[tilespmem:s3], [sflag:$0x2] =	stream.linear.gather [hbm4b:s4+s3], $0x200, $0x38;
	[tilespmem:$0x14200] =	vst v63  }
0x12: {  	_ = 	snop  }
0x13: {  	[tilespmem:s11], [sflag:$0x1] =	stream.linear.gather [hbm4b:s6+s3], $0x4000, $0x38;
	[tilespmem:$0x14200] =	vst v63  }
0x14: {  	_ =	swait.ge [sflag:s12], $0x200  }
0x15: {  	[sflag:s12] =	ssyncset.done $0x0  }
0x16: {  	[sflag:s12] =	ssyncadd.s32 $0xFFFFFE00  }
0x17: {  	[tilespmem:s14], [sflag:$0x3] =	stream.indirect.gather [hbm4b:s1+s13], $0x80, s3, s13, $0xb8;
	[tilespmem:$0x14200] =	vst v63  }
0x18: {  	_ = 	snop  }
0x19: {  	[tilespmem:s15], [sflag:$0x3] =	stream.indirect.gather [hbm4b:s1+s13], $0x80, s13, s13, $0xb8;
	[tilespmem:$0x14200] =	vst v63  }
0x1a: {  	_ = 	snop  }
0x1b: {  	[tilespmem:s17], [sflag:$0x3] =	stream.indirect.gather [hbm4b:s1+s13], $0x80, s16, s13, $0xb8;
	[tilespmem:$0x14200] =	vst v63  }
0x1c: {  	_ = 	snop  }
0x1d: {  	[tilespmem:s19], [sflag:$0x3] =	stream.indirect.gather [hbm4b:s1+s13], $0x80, s18, s13, $0xb8;
	[tilespmem:$0x14200] =	vst v63  }
0x1e: {  	_ =	swait.ge [sflag:s20], $0x4000  }
0x1f: {  	[sflag:s20] =	ssyncset.done $0x0  }
0x20: {  	[sflag:s20] =	ssyncadd.s32 $0xFFFFC000  }
0x21: {  	_ =	swait.ge [sflag:s21], $0x4000  }
0x22: {  	[sflag:s21] =	ssyncset.done $0x0  }
0x23: {  	s24 =	simm.s32 $0x0;
	[sflag:s21] =	ssyncadd.s32 $0xFFFFC000  }
0x24: {  	v0 =	vld [tilespmem:s24+$0x3F0]  }
0x25: {  	v1 =	vld [tilespmem:s24+$0x200]  }
0x26: {  	v2 =	vld [tilespmem:s24+$0x210]  }
0x27: {  	v3 =	vld [tilespmem:s24+$0x220]  }
0x28: {  	v4 =	vld [tilespmem:s24+$0x230]  }
0x29: {  	v5 =	vld [tilespmem:s24+$0x240]  }
0x2a: {  	v6 =	vld [tilespmem:s24+$0x250]  }
0x2b: {  	v7 =	vld [tilespmem:s24+$0x260]  }
0x2c: {  	v8 =	vld [tilespmem:s24+$0x270]  }
0x2d: {  	v9 =	vld [tilespmem:s24+$0x280]  }
0x2e: {  	v10 =	vld [tilespmem:s24+$0x290]  }
0x2f: {  	v11 =	vld [tilespmem:s24+$0x2A0]  }
0x30: {  	v12 =	vld [tilespmem:s24+$0x2B0]  }
0x31: {  	v13 =	vld [tilespmem:s24+$0x2C0]  }
0x32: {  	v14 =	vld [tilespmem:s24+$0x2D0]  }
0x33: {  	v15 =	vld [tilespmem:s24+$0x2E0]  }
0x34: {  	v16 =	vld [tilespmem:s24+$0x2F0]  }
0x35: {  	v17 =	vld [tilespmem:s24+$0x300]  }
0x36: {  	v18 =	vld [tilespmem:s24+$0x310]  }
0x37: {  	v19 =	vld [tilespmem:s24+$0x320]  }
0x38: {  	v20 =	vld [tilespmem:s24+$0x330]  }
0x39: {  	v21 =	vld [tilespmem:s24+$0x340]  }
0x3a: {  	v22 =	vld [tilespmem:s24+$0x350]  }
0x3b: {  	v23 =	vld [tilespmem:s24+$0x360]  }
0x3c: {  	v24 =	vld [tilespmem:s24+$0x370]  }
0x3d: {  	v25 =	vld [tilespmem:s24+$0x380]  }
0x3e: {  	v26 =	vld [tilespmem:s24+$0x390]  }
0x3f: {  	v27 =	vld [tilespmem:s24+$0x3A0]  }
0x40: {  	v28 =	vld [tilespmem:s24+$0x3B0]  }
0x41: {  	v29 =	vld [tilespmem:s24+$0x3C0]  }
0x42: {  	v30 =	vld [tilespmem:s24+$0x3D0]  }
0x43: {  	[tilespmem:s24+$0x43F0] =	vst.add.f32.msk $0xffff, v0  }
0x44: {  	v0 =	vld [tilespmem:s24+$0x3E0]  }
0x45: {  	[tilespmem:s24+$0x4200] =	vst.add.f32.msk $0xffff, v1  }
0x46: {  	[tilespmem:s24+$0x4210] =	vst.add.f32.msk $0xffff, v2  }
0x47: {  	[tilespmem:s24+$0x4220] =	vst.add.f32.msk $0xffff, v3  }
0x48: {  	[tilespmem:s24+$0x4230] =	vst.add.f32.msk $0xffff, v4  }
0x49: {  	[tilespmem:s24+$0x4240] =	vst.add.f32.msk $0xffff, v5  }
0x4a: {  	[tilespmem:s24+$0x4250] =	vst.add.f32.msk $0xffff, v6  }
0x4b: {  	[tilespmem:s24+$0x4260] =	vst.add.f32.msk $0xffff, v7  }
0x4c: {  	[tilespmem:s24+$0x4270] =	vst.add.f32.msk $0xffff, v8  }
0x4d: {  	[tilespmem:s24+$0x4280] =	vst.add.f32.msk $0xffff, v9  }
0x4e: {  	[tilespmem:s24+$0x4290] =	vst.add.f32.msk $0xffff, v10  }
0x4f: {  	[tilespmem:s24+$0x42A0] =	vst.add.f32.msk $0xffff, v11  }
0x50: {  	[tilespmem:s24+$0x42B0] =	vst.add.f32.msk $0xffff, v12  }
0x51: {  	[tilespmem:s24+$0x42C0] =	vst.add.f32.msk $0xffff, v13  }
0x52: {  	[tilespmem:s24+$0x42D0] =	vst.add.f32.msk $0xffff, v14  }
0x53: {  	[tilespmem:s24+$0x42E0] =	vst.add.f32.msk $0xffff, v15  }
0x54: {  	[tilespmem:s24+$0x42F0] =	vst.add.f32.msk $0xffff, v16  }
0x55: {  	[tilespmem:s24+$0x4300] =	vst.add.f32.msk $0xffff, v17  }
0x56: {  	[tilespmem:s24+$0x4310] =	vst.add.f32.msk $0xffff, v18  }
0x57: {  	[tilespmem:s24+$0x4320] =	vst.add.f32.msk $0xffff, v19  }
0x58: {  	[tilespmem:s24+$0x4330] =	vst.add.f32.msk $0xffff, v20  }
0x59: {  	[tilespmem:s24+$0x4340] =	vst.add.f32.msk $0xffff, v21  }
0x5a: {  	[tilespmem:s24+$0x4350] =	vst.add.f32.msk $0xffff, v22  }
0x5b: {  	[tilespmem:s24+$0x4360] =	vst.add.f32.msk $0xffff, v23  }
0x5c: {  	[tilespmem:s24+$0x4370] =	vst.add.f32.msk $0xffff, v24  }
0x5d: {  	[tilespmem:s24+$0x4380] =	vst.add.f32.msk $0xffff, v25  }
0x5e: {  	[tilespmem:s24+$0x4390] =	vst.add.f32.msk $0xffff, v26  }
0x5f: {  	[tilespmem:s24+$0x43A0] =	vst.add.f32.msk $0xffff, v27  }
0x60: {  	[tilespmem:s24+$0x43B0] =	vst.add.f32.msk $0xffff, v28  }
0x61: {  	[tilespmem:s24+$0x43C0] =	vst.add.f32.msk $0xffff, v29  }
0x62: {  	s25 =	simm.s32 $0x0;
	s26 =	simm.s32 $0x800;
	[tilespmem:s24+$0x43D0] =	vst.add.f32.msk $0xffff, v30  }
.LBB2_2:
0x63: {  	s25 =	sadd.s32 $0x4, s25;
	[tilespmem:s24+$0x43E0] =	vst.add.f32.msk $0xffff, v0;
	s24 =	sshra.s32 s26, $0x2  }
0x64: {  	v0 =	vld [tilespmem:s24+$0x3F0];
	p0 =	slt.u32 s25, $0x7C  }
0x65: {  	v1 =	vld [tilespmem:s24+$0x200]  }
0x66: {  	v2 =	vld [tilespmem:s24+$0x210]  }
0x67: {  	v3 =	vld [tilespmem:s24+$0x220]  }
0x68: {  	v4 =	vld [tilespmem:s24+$0x230]  }
0x69: {  	[tilespmem:s24+$0x43F0] =	vst.add.f32.msk $0xffff, v0  }
0x6a: {  	v5 =	vld [tilespmem:s24+$0x240]  }
0x6b: {  	v6 =	vld [tilespmem:s24+$0x250]  }
0x6c: {  	v7 =	vld [tilespmem:s24+$0x260]  }
0x6d: {  	v8 =	vld [tilespmem:s24+$0x270]  }
0x6e: {  	v9 =	vld [tilespmem:s24+$0x280]  }
0x6f: {  	v10 =	vld [tilespmem:s24+$0x290]  }
0x70: {  	v11 =	vld [tilespmem:s24+$0x2A0]  }
0x71: {  	v12 =	vld [tilespmem:s24+$0x2B0]  }
0x72: {  	v13 =	vld [tilespmem:s24+$0x2C0]  }
0x73: {  	v14 =	vld [tilespmem:s24+$0x2D0]  }
0x74: {  	v15 =	vld [tilespmem:s24+$0x2E0]  }
0x75: {  	v16 =	vld [tilespmem:s24+$0x2F0]  }
0x76: {  	v17 =	vld [tilespmem:s24+$0x300]  }
0x77: {  	v18 =	vld [tilespmem:s24+$0x310]  }
0x78: {  	v19 =	vld [tilespmem:s24+$0x320]  }
0x79: {  	v20 =	vld [tilespmem:s24+$0x330]  }
0x7a: {  	v21 =	vld [tilespmem:s24+$0x340]  }
0x7b: {  	v22 =	vld [tilespmem:s24+$0x350]  }
0x7c: {  	v23 =	vld [tilespmem:s24+$0x360]  }
0x7d: {  	v24 =	vld [tilespmem:s24+$0x370]  }
0x7e: {  	v25 =	vld [tilespmem:s24+$0x380]  }
0x7f: {  	v26 =	vld [tilespmem:s24+$0x390]  }
0x80: {  	v27 =	vld [tilespmem:s24+$0x3A0]  }
0x81: {  	v28 =	vld [tilespmem:s24+$0x3B0]  }
0x82: {  	v29 =	vld [tilespmem:s24+$0x3C0]  }
0x83: {  	v30 =	vld [tilespmem:s24+$0x3D0]  }
0x84: {  	v0 =	vld [tilespmem:s24+$0x3E0]  }
0x85: {  	[tilespmem:s24+$0x4200] =	vst.add.f32.msk $0xffff, v1  }
0x86: {  	[tilespmem:s24+$0x4210] =	vst.add.f32.msk $0xffff, v2  }
0x87: {  	[tilespmem:s24+$0x4220] =	vst.add.f32.msk $0xffff, v3  }
0x88: {  	[tilespmem:s24+$0x4230] =	vst.add.f32.msk $0xffff, v4  }
0x89: {  	[tilespmem:s24+$0x4240] =	vst.add.f32.msk $0xffff, v5  }
0x8a: {  	[tilespmem:s24+$0x4250] =	vst.add.f32.msk $0xffff, v6  }
0x8b: {  	[tilespmem:s24+$0x4260] =	vst.add.f32.msk $0xffff, v7  }
0x8c: {  	[tilespmem:s24+$0x4270] =	vst.add.f32.msk $0xffff, v8  }
0x8d: {  	[tilespmem:s24+$0x4280] =	vst.add.f32.msk $0xffff, v9  }
0x8e: {  	[tilespmem:s24+$0x4290] =	vst.add.f32.msk $0xffff, v10  }
0x8f: {  	[tilespmem:s24+$0x42A0] =	vst.add.f32.msk $0xffff, v11  }
0x90: {  	[tilespmem:s24+$0x42B0] =	vst.add.f32.msk $0xffff, v12  }
0x91: {  	[tilespmem:s24+$0x42C0] =	vst.add.f32.msk $0xffff, v13  }
0x92: {  	[tilespmem:s24+$0x42D0] =	vst.add.f32.msk $0xffff, v14  }
0x93: {  	[tilespmem:s24+$0x42E0] =	vst.add.f32.msk $0xffff, v15  }
0x94: {  	[tilespmem:s24+$0x42F0] =	vst.add.f32.msk $0xffff, v16  }
0x95: {  	[tilespmem:s24+$0x4300] =	vst.add.f32.msk $0xffff, v17  }
0x96: {  	[tilespmem:s24+$0x4310] =	vst.add.f32.msk $0xffff, v18  }
0x97: {  	[tilespmem:s24+$0x4320] =	vst.add.f32.msk $0xffff, v19  }
0x98: {  	[tilespmem:s24+$0x4330] =	vst.add.f32.msk $0xffff, v20  }
0x99: {  	[tilespmem:s24+$0x4340] =	vst.add.f32.msk $0xffff, v21  }
0x9a: {  	[tilespmem:s24+$0x4350] =	vst.add.f32.msk $0xffff, v22  }
0x9b: {  	[tilespmem:s24+$0x4360] =	vst.add.f32.msk $0xffff, v23  }
0x9c: {  	[tilespmem:s24+$0x4370] =	vst.add.f32.msk $0xffff, v24  }
0x9d: {  	[tilespmem:s24+$0x4380] =	vst.add.f32.msk $0xffff, v25  }
.Ltmp0:
0x9e: {  	[tilespmem:s24+$0x4390] =	vst.add.f32.msk $0xffff, v26;
	(pc) =	sbr.rel @p0 .LBB2_2-.Ltmp0, $4  }
0x9f: {  	[tilespmem:s24+$0x43A0] =	vst.add.f32.msk $0xffff, v27  }
0xa0: {  	[tilespmem:s24+$0x43B0] =	vst.add.f32.msk $0xffff, v28  }
0xa1: {  	[tilespmem:s24+$0x43C0] =	vst.add.f32.msk $0xffff, v29  }
0xa2: {  	s26 =	sadd.s32 $0x800, s26;
	[tilespmem:s24+$0x43D0] =	vst.add.f32.msk $0xffff, v30  }
0xa3: {  	[tilespmem:s24+$0x43E0] =	vst.add.f32.msk $0xffff, v0;
	s31 =	simm.s32 $0x0  }
0xa4: {  	[hbm4b:s5+s31] =	stream.linear.scatter [tilespmem:s14], [sflag:$0x4], $0x4000, $0x38;
	[tilespmem:$0x14200] =	vst v63  }
0xa5: {  	_ =	swait.ge [sflag:s20], $0x4000  }
0xa6: {  	[sflag:s20] =	ssyncset.done $0x0  }
0xa7: {  	s24 =	simm.s32 $0x0;
	[sflag:s20] =	ssyncadd.s32 $0xFFFFC000  }
0xa8: {  	v0 =	vld [tilespmem:s24+$0x3F0]  }
0xa9: {  	v1 =	vld [tilespmem:s24+$0x200]  }
0xaa: {  	v2 =	vld [tilespmem:s24+$0x210]  }
0xab: {  	v3 =	vld [tilespmem:s24+$0x220]  }
0xac: {  	v4 =	vld [tilespmem:s24+$0x230]  }
0xad: {  	v5 =	vld [tilespmem:s24+$0x240]  }
0xae: {  	v6 =	vld [tilespmem:s24+$0x250]  }
0xaf: {  	v7 =	vld [tilespmem:s24+$0x260]  }
0xb0: {  	v8 =	vld [tilespmem:s24+$0x270]  }
0xb1: {  	v9 =	vld [tilespmem:s24+$0x280]  }
0xb2: {  	v10 =	vld [tilespmem:s24+$0x290]  }
0xb3: {  	v11 =	vld [tilespmem:s24+$0x2A0]  }
0xb4: {  	v12 =	vld [tilespmem:s24+$0x2B0]  }
0xb5: {  	v13 =	vld [tilespmem:s24+$0x2C0]  }
0xb6: {  	v14 =	vld [tilespmem:s24+$0x2D0]  }
0xb7: {  	v15 =	vld [tilespmem:s24+$0x2E0]  }
0xb8: {  	v16 =	vld [tilespmem:s24+$0x2F0]  }
0xb9: {  	v17 =	vld [tilespmem:s24+$0x300]  }
0xba: {  	v18 =	vld [tilespmem:s24+$0x310]  }
0xbb: {  	v19 =	vld [tilespmem:s24+$0x320]  }
0xbc: {  	v20 =	vld [tilespmem:s24+$0x330]  }
0xbd: {  	v21 =	vld [tilespmem:s24+$0x340]  }
0xbe: {  	v22 =	vld [tilespmem:s24+$0x350]  }
0xbf: {  	v23 =	vld [tilespmem:s24+$0x360]  }
0xc0: {  	v24 =	vld [tilespmem:s24+$0x370]  }
0xc1: {  	v25 =	vld [tilespmem:s24+$0x380]  }
0xc2: {  	v26 =	vld [tilespmem:s24+$0x390]  }
0xc3: {  	v27 =	vld [tilespmem:s24+$0x3A0]  }
0xc4: {  	v28 =	vld [tilespmem:s24+$0x3B0]  }
0xc5: {  	v29 =	vld [tilespmem:s24+$0x3C0]  }
0xc6: {  	v30 =	vld [tilespmem:s24+$0x3D0]  }
0xc7: {  	[tilespmem:s24+$0x83F0] =	vst.add.f32.msk $0xffff, v0  }
0xc8: {  	v0 =	vld [tilespmem:s24+$0x3E0]  }
0xc9: {  	[tilespmem:s24+$0x8200] =	vst.add.f32.msk $0xffff, v1  }
0xca: {  	[tilespmem:s24+$0x8210] =	vst.add.f32.msk $0xffff, v2  }
0xcb: {  	[tilespmem:s24+$0x8220] =	vst.add.f32.msk $0xffff, v3  }
0xcc: {  	[tilespmem:s24+$0x8230] =	vst.add.f32.msk $0xffff, v4  }
0xcd: {  	[tilespmem:s24+$0x8240] =	vst.add.f32.msk $0xffff, v5  }
0xce: {  	[tilespmem:s24+$0x8250] =	vst.add.f32.msk $0xffff, v6  }
0xcf: {  	[tilespmem:s24+$0x8260] =	vst.add.f32.msk $0xffff, v7  }
0xd0: {  	[tilespmem:s24+$0x8270] =	vst.add.f32.msk $0xffff, v8  }
0xd1: {  	[tilespmem:s24+$0x8280] =	vst.add.f32.msk $0xffff, v9  }
0xd2: {  	[tilespmem:s24+$0x8290] =	vst.add.f32.msk $0xffff, v10  }
0xd3: {  	[tilespmem:s24+$0x82A0] =	vst.add.f32.msk $0xffff, v11  }
0xd4: {  	[tilespmem:s24+$0x82B0] =	vst.add.f32.msk $0xffff, v12  }
0xd5: {  	[tilespmem:s24+$0x82C0] =	vst.add.f32.msk $0xffff, v13  }
0xd6: {  	[tilespmem:s24+$0x82D0] =	vst.add.f32.msk $0xffff, v14  }
0xd7: {  	[tilespmem:s24+$0x82E0] =	vst.add.f32.msk $0xffff, v15  }
0xd8: {  	[tilespmem:s24+$0x82F0] =	vst.add.f32.msk $0xffff, v16  }
0xd9: {  	[tilespmem:s24+$0x8300] =	vst.add.f32.msk $0xffff, v17  }
0xda: {  	[tilespmem:s24+$0x8310] =	vst.add.f32.msk $0xffff, v18  }
0xdb: {  	[tilespmem:s24+$0x8320] =	vst.add.f32.msk $0xffff, v19  }
0xdc: {  	[tilespmem:s24+$0x8330] =	vst.add.f32.msk $0xffff, v20  }
0xdd: {  	[tilespmem:s24+$0x8340] =	vst.add.f32.msk $0xffff, v21  }
0xde: {  	[tilespmem:s24+$0x8350] =	vst.add.f32.msk $0xffff, v22  }
0xdf: {  	[tilespmem:s24+$0x8360] =	vst.add.f32.msk $0xffff, v23  }
0xe0: {  	[tilespmem:s24+$0x8370] =	vst.add.f32.msk $0xffff, v24  }
0xe1: {  	[tilespmem:s24+$0x8380] =	vst.add.f32.msk $0xffff, v25  }
0xe2: {  	[tilespmem:s24+$0x8390] =	vst.add.f32.msk $0xffff, v26  }
0xe3: {  	[tilespmem:s24+$0x83A0] =	vst.add.f32.msk $0xffff, v27  }
0xe4: {  	[tilespmem:s24+$0x83B0] =	vst.add.f32.msk $0xffff, v28  }
0xe5: {  	[tilespmem:s24+$0x83C0] =	vst.add.f32.msk $0xffff, v29  }
0xe6: {  	s25 =	simm.s32 $0x0;
	s26 =	simm.s32 $0x800;
	[tilespmem:s24+$0x83D0] =	vst.add.f32.msk $0xffff, v30  }
.LBB2_4:
0xe7: {  	s25 =	sadd.s32 $0x4, s25;
	[tilespmem:s24+$0x83E0] =	vst.add.f32.msk $0xffff, v0;
	s24 =	sshra.s32 s26, $0x2  }
0xe8: {  	v0 =	vld [tilespmem:s24+$0x3F0];
	p0 =	slt.u32 s25, $0x7C  }
0xe9: {  	v1 =	vld [tilespmem:s24+$0x200]  }
0xea: {  	v2 =	vld [tilespmem:s24+$0x210]  }
0xeb: {  	v3 =	vld [tilespmem:s24+$0x220]  }
0xec: {  	v4 =	vld [tilespmem:s24+$0x230]  }
0xed: {  	[tilespmem:s24+$0x83F0] =	vst.add.f32.msk $0xffff, v0  }
0xee: {  	v5 =	vld [tilespmem:s24+$0x240]  }
0xef: {  	v6 =	vld [tilespmem:s24+$0x250]  }
0xf0: {  	v7 =	vld [tilespmem:s24+$0x260]  }
0xf1: {  	v8 =	vld [tilespmem:s24+$0x270]  }
0xf2: {  	v9 =	vld [tilespmem:s24+$0x280]  }
0xf3: {  	v10 =	vld [tilespmem:s24+$0x290]  }
0xf4: {  	v11 =	vld [tilespmem:s24+$0x2A0]  }
0xf5: {  	v12 =	vld [tilespmem:s24+$0x2B0]  }
0xf6: {  	v13 =	vld [tilespmem:s24+$0x2C0]  }
0xf7: {  	v14 =	vld [tilespmem:s24+$0x2D0]  }
0xf8: {  	v15 =	vld [tilespmem:s24+$0x2E0]  }
0xf9: {  	v16 =	vld [tilespmem:s24+$0x2F0]  }
0xfa: {  	v17 =	vld [tilespmem:s24+$0x300]  }
0xfb: {  	v18 =	vld [tilespmem:s24+$0x310]  }
0xfc: {  	v19 =	vld [tilespmem:s24+$0x320]  }
0xfd: {  	v20 =	vld [tilespmem:s24+$0x330]  }
0xfe: {  	v21 =	vld [tilespmem:s24+$0x340]  }
0xff: {  	v22 =	vld [tilespmem:s24+$0x350]  }
0x100: {  	v23 =	vld [tilespmem:s24+$0x360]  }
0x101: {  	v24 =	vld [tilespmem:s24+$0x370]  }
0x102: {  	v25 =	vld [tilespmem:s24+$0x380]  }
0x103: {  	v26 =	vld [tilespmem:s24+$0x390]  }
0x104: {  	v27 =	vld [tilespmem:s24+$0x3A0]  }
0x105: {  	v28 =	vld [tilespmem:s24+$0x3B0]  }
0x106: {  	v29 =	vld [tilespmem:s24+$0x3C0]  }
0x107: {  	v30 =	vld [tilespmem:s24+$0x3D0]  }
0x108: {  	v0 =	vld [tilespmem:s24+$0x3E0]  }
0x109: {  	[tilespmem:s24+$0x8200] =	vst.add.f32.msk $0xffff, v1  }
0x10a: {  	[tilespmem:s24+$0x8210] =	vst.add.f32.msk $0xffff, v2  }
0x10b: {  	[tilespmem:s24+$0x8220] =	vst.add.f32.msk $0xffff, v3  }
0x10c: {  	[tilespmem:s24+$0x8230] =	vst.add.f32.msk $0xffff, v4  }
0x10d: {  	[tilespmem:s24+$0x8240] =	vst.add.f32.msk $0xffff, v5  }
0x10e: {  	[tilespmem:s24+$0x8250] =	vst.add.f32.msk $0xffff, v6  }
0x10f: {  	[tilespmem:s24+$0x8260] =	vst.add.f32.msk $0xffff, v7  }
0x110: {  	[tilespmem:s24+$0x8270] =	vst.add.f32.msk $0xffff, v8  }
0x111: {  	[tilespmem:s24+$0x8280] =	vst.add.f32.msk $0xffff, v9  }
0x112: {  	[tilespmem:s24+$0x8290] =	vst.add.f32.msk $0xffff, v10  }
0x113: {  	[tilespmem:s24+$0x82A0] =	vst.add.f32.msk $0xffff, v11  }
0x114: {  	[tilespmem:s24+$0x82B0] =	vst.add.f32.msk $0xffff, v12  }
0x115: {  	[tilespmem:s24+$0x82C0] =	vst.add.f32.msk $0xffff, v13  }
0x116: {  	[tilespmem:s24+$0x82D0] =	vst.add.f32.msk $0xffff, v14  }
0x117: {  	[tilespmem:s24+$0x82E0] =	vst.add.f32.msk $0xffff, v15  }
0x118: {  	[tilespmem:s24+$0x82F0] =	vst.add.f32.msk $0xffff, v16  }
0x119: {  	[tilespmem:s24+$0x8300] =	vst.add.f32.msk $0xffff, v17  }
0x11a: {  	[tilespmem:s24+$0x8310] =	vst.add.f32.msk $0xffff, v18  }
0x11b: {  	[tilespmem:s24+$0x8320] =	vst.add.f32.msk $0xffff, v19  }
0x11c: {  	[tilespmem:s24+$0x8330] =	vst.add.f32.msk $0xffff, v20  }
0x11d: {  	[tilespmem:s24+$0x8340] =	vst.add.f32.msk $0xffff, v21  }
0x11e: {  	[tilespmem:s24+$0x8350] =	vst.add.f32.msk $0xffff, v22  }
0x11f: {  	[tilespmem:s24+$0x8360] =	vst.add.f32.msk $0xffff, v23  }
0x120: {  	[tilespmem:s24+$0x8370] =	vst.add.f32.msk $0xffff, v24  }
0x121: {  	[tilespmem:s24+$0x8380] =	vst.add.f32.msk $0xffff, v25  }
.Ltmp1:
0x122: {  	[tilespmem:s24+$0x8390] =	vst.add.f32.msk $0xffff, v26;
	(pc) =	sbr.rel @p0 .LBB2_4-.Ltmp1, $4  }
0x123: {  	[tilespmem:s24+$0x83A0] =	vst.add.f32.msk $0xffff, v27  }
0x124: {  	[tilespmem:s24+$0x83B0] =	vst.add.f32.msk $0xffff, v28  }
0x125: {  	[tilespmem:s24+$0x83C0] =	vst.add.f32.msk $0xffff, v29  }
0x126: {  	s26 =	sadd.s32 $0x800, s26;
	[tilespmem:s24+$0x83D0] =	vst.add.f32.msk $0xffff, v30  }
0x127: {  	[tilespmem:s24+$0x83E0] =	vst.add.f32.msk $0xffff, v0;
	s31 =	simm.s32 $0x0  }
0x128: {  	[hbm4b:s7+s31] =	stream.linear.scatter [tilespmem:s15], [sflag:$0x4], $0x4000, $0x38;
	[tilespmem:$0x14200] =	vst v63  }
0x129: {  	_ =	swait.ge [sflag:s20], $0x4000  }
0x12a: {  	[sflag:s20] =	ssyncset.done $0x0  }
0x12b: {  	s24 =	simm.s32 $0x0;
	[sflag:s20] =	ssyncadd.s32 $0xFFFFC000  }
0x12c: {  	v0 =	vld [tilespmem:s24+$0x3F0]  }
0x12d: {  	v1 =	vld [tilespmem:s24+$0x200]  }
0x12e: {  	v2 =	vld [tilespmem:s24+$0x210]  }
0x12f: {  	v3 =	vld [tilespmem:s24+$0x220]  }
0x130: {  	v4 =	vld [tilespmem:s24+$0x230]  }
0x131: {  	v5 =	vld [tilespmem:s24+$0x240]  }
0x132: {  	v6 =	vld [tilespmem:s24+$0x250]  }
0x133: {  	v7 =	vld [tilespmem:s24+$0x260]  }
0x134: {  	v8 =	vld [tilespmem:s24+$0x270]  }
0x135: {  	v9 =	vld [tilespmem:s24+$0x280]  }
0x136: {  	v10 =	vld [tilespmem:s24+$0x290]  }
0x137: {  	v11 =	vld [tilespmem:s24+$0x2A0]  }
0x138: {  	v12 =	vld [tilespmem:s24+$0x2B0]  }
0x139: {  	v13 =	vld [tilespmem:s24+$0x2C0]  }
0x13a: {  	v14 =	vld [tilespmem:s24+$0x2D0]  }
0x13b: {  	v15 =	vld [tilespmem:s24+$0x2E0]  }
0x13c: {  	v16 =	vld [tilespmem:s24+$0x2F0]  }
0x13d: {  	v17 =	vld [tilespmem:s24+$0x300]  }
0x13e: {  	v18 =	vld [tilespmem:s24+$0x310]  }
0x13f: {  	v19 =	vld [tilespmem:s24+$0x320]  }
0x140: {  	v20 =	vld [tilespmem:s24+$0x330]  }
0x141: {  	v21 =	vld [tilespmem:s24+$0x340]  }
0x142: {  	v22 =	vld [tilespmem:s24+$0x350]  }
0x143: {  	v23 =	vld [tilespmem:s24+$0x360]  }
0x144: {  	v24 =	vld [tilespmem:s24+$0x370]  }
0x145: {  	v25 =	vld [tilespmem:s24+$0x380]  }
0x146: {  	v26 =	vld [tilespmem:s24+$0x390]  }
0x147: {  	v27 =	vld [tilespmem:s24+$0x3A0]  }
0x148: {  	v28 =	vld [tilespmem:s24+$0x3B0]  }
0x149: {  	v29 =	vld [tilespmem:s24+$0x3C0]  }
0x14a: {  	v30 =	vld [tilespmem:s24+$0x3D0]  }
0x14b: {  	[tilespmem:s24+$0xC3F0] =	vst.add.f32.msk $0xffff, v0  }
0x14c: {  	v0 =	vld [tilespmem:s24+$0x3E0]  }
0x14d: {  	[tilespmem:s24+$0xC200] =	vst.add.f32.msk $0xffff, v1  }
0x14e: {  	[tilespmem:s24+$0xC210] =	vst.add.f32.msk $0xffff, v2  }
0x14f: {  	[tilespmem:s24+$0xC220] =	vst.add.f32.msk $0xffff, v3  }
0x150: {  	[tilespmem:s24+$0xC230] =	vst.add.f32.msk $0xffff, v4  }
0x151: {  	[tilespmem:s24+$0xC240] =	vst.add.f32.msk $0xffff, v5  }
0x152: {  	[tilespmem:s24+$0xC250] =	vst.add.f32.msk $0xffff, v6  }
0x153: {  	[tilespmem:s24+$0xC260] =	vst.add.f32.msk $0xffff, v7  }
0x154: {  	[tilespmem:s24+$0xC270] =	vst.add.f32.msk $0xffff, v8  }
0x155: {  	[tilespmem:s24+$0xC280] =	vst.add.f32.msk $0xffff, v9  }
0x156: {  	[tilespmem:s24+$0xC290] =	vst.add.f32.msk $0xffff, v10  }
0x157: {  	[tilespmem:s24+$0xC2A0] =	vst.add.f32.msk $0xffff, v11  }
0x158: {  	[tilespmem:s24+$0xC2B0] =	vst.add.f32.msk $0xffff, v12  }
0x159: {  	[tilespmem:s24+$0xC2C0] =	vst.add.f32.msk $0xffff, v13  }
0x15a: {  	[tilespmem:s24+$0xC2D0] =	vst.add.f32.msk $0xffff, v14  }
0x15b: {  	[tilespmem:s24+$0xC2E0] =	vst.add.f32.msk $0xffff, v15  }
0x15c: {  	[tilespmem:s24+$0xC2F0] =	vst.add.f32.msk $0xffff, v16  }
0x15d: {  	[tilespmem:s24+$0xC300] =	vst.add.f32.msk $0xffff, v17  }
0x15e: {  	[tilespmem:s24+$0xC310] =	vst.add.f32.msk $0xffff, v18  }
0x15f: {  	[tilespmem:s24+$0xC320] =	vst.add.f32.msk $0xffff, v19  }
0x160: {  	[tilespmem:s24+$0xC330] =	vst.add.f32.msk $0xffff, v20  }
0x161: {  	[tilespmem:s24+$0xC340] =	vst.add.f32.msk $0xffff, v21  }
0x162: {  	[tilespmem:s24+$0xC350] =	vst.add.f32.msk $0xffff, v22  }
0x163: {  	[tilespmem:s24+$0xC360] =	vst.add.f32.msk $0xffff, v23  }
0x164: {  	[tilespmem:s24+$0xC370] =	vst.add.f32.msk $0xffff, v24  }
0x165: {  	[tilespmem:s24+$0xC380] =	vst.add.f32.msk $0xffff, v25  }
0x166: {  	[tilespmem:s24+$0xC390] =	vst.add.f32.msk $0xffff, v26  }
0x167: {  	[tilespmem:s24+$0xC3A0] =	vst.add.f32.msk $0xffff, v27  }
0x168: {  	[tilespmem:s24+$0xC3B0] =	vst.add.f32.msk $0xffff, v28  }
0x169: {  	[tilespmem:s24+$0xC3C0] =	vst.add.f32.msk $0xffff, v29  }
0x16a: {  	s25 =	simm.s32 $0x0;
	s26 =	simm.s32 $0x800;
	[tilespmem:s24+$0xC3D0] =	vst.add.f32.msk $0xffff, v30  }
.LBB2_6:
0x16b: {  	s25 =	sadd.s32 $0x4, s25;
	[tilespmem:s24+$0xC3E0] =	vst.add.f32.msk $0xffff, v0;
	s24 =	sshra.s32 s26, $0x2  }
0x16c: {  	v0 =	vld [tilespmem:s24+$0x3F0];
	p0 =	slt.u32 s25, $0x7C  }
0x16d: {  	v1 =	vld [tilespmem:s24+$0x200]  }
0x16e: {  	v2 =	vld [tilespmem:s24+$0x210]  }
0x16f: {  	v3 =	vld [tilespmem:s24+$0x220]  }
0x170: {  	v4 =	vld [tilespmem:s24+$0x230]  }
0x171: {  	[tilespmem:s24+$0xC3F0] =	vst.add.f32.msk $0xffff, v0  }
0x172: {  	v5 =	vld [tilespmem:s24+$0x240]  }
0x173: {  	v6 =	vld [tilespmem:s24+$0x250]  }
0x174: {  	v7 =	vld [tilespmem:s24+$0x260]  }
0x175: {  	v8 =	vld [tilespmem:s24+$0x270]  }
0x176: {  	v9 =	vld [tilespmem:s24+$0x280]  }
0x177: {  	v10 =	vld [tilespmem:s24+$0x290]  }
0x178: {  	v11 =	vld [tilespmem:s24+$0x2A0]  }
0x179: {  	v12 =	vld [tilespmem:s24+$0x2B0]  }
0x17a: {  	v13 =	vld [tilespmem:s24+$0x2C0]  }
0x17b: {  	v14 =	vld [tilespmem:s24+$0x2D0]  }
0x17c: {  	v15 =	vld [tilespmem:s24+$0x2E0]  }
0x17d: {  	v16 =	vld [tilespmem:s24+$0x2F0]  }
0x17e: {  	v17 =	vld [tilespmem:s24+$0x300]  }
0x17f: {  	v18 =	vld [tilespmem:s24+$0x310]  }
0x180: {  	v19 =	vld [tilespmem:s24+$0x320]  }
0x181: {  	v20 =	vld [tilespmem:s24+$0x330]  }
0x182: {  	v21 =	vld [tilespmem:s24+$0x340]  }
0x183: {  	v22 =	vld [tilespmem:s24+$0x350]  }
0x184: {  	v23 =	vld [tilespmem:s24+$0x360]  }
0x185: {  	v24 =	vld [tilespmem:s24+$0x370]  }
0x186: {  	v25 =	vld [tilespmem:s24+$0x380]  }
0x187: {  	v26 =	vld [tilespmem:s24+$0x390]  }
0x188: {  	v27 =	vld [tilespmem:s24+$0x3A0]  }
0x189: {  	v28 =	vld [tilespmem:s24+$0x3B0]  }
0x18a: {  	v29 =	vld [tilespmem:s24+$0x3C0]  }
0x18b: {  	v30 =	vld [tilespmem:s24+$0x3D0]  }
0x18c: {  	v0 =	vld [tilespmem:s24+$0x3E0]  }
0x18d: {  	[tilespmem:s24+$0xC200] =	vst.add.f32.msk $0xffff, v1  }
0x18e: {  	[tilespmem:s24+$0xC210] =	vst.add.f32.msk $0xffff, v2  }
0x18f: {  	[tilespmem:s24+$0xC220] =	vst.add.f32.msk $0xffff, v3  }
0x190: {  	[tilespmem:s24+$0xC230] =	vst.add.f32.msk $0xffff, v4  }
0x191: {  	[tilespmem:s24+$0xC240] =	vst.add.f32.msk $0xffff, v5  }
0x192: {  	[tilespmem:s24+$0xC250] =	vst.add.f32.msk $0xffff, v6  }
0x193: {  	[tilespmem:s24+$0xC260] =	vst.add.f32.msk $0xffff, v7  }
0x194: {  	[tilespmem:s24+$0xC270] =	vst.add.f32.msk $0xffff, v8  }
0x195: {  	[tilespmem:s24+$0xC280] =	vst.add.f32.msk $0xffff, v9  }
0x196: {  	[tilespmem:s24+$0xC290] =	vst.add.f32.msk $0xffff, v10  }
0x197: {  	[tilespmem:s24+$0xC2A0] =	vst.add.f32.msk $0xffff, v11  }
0x198: {  	[tilespmem:s24+$0xC2B0] =	vst.add.f32.msk $0xffff, v12  }
0x199: {  	[tilespmem:s24+$0xC2C0] =	vst.add.f32.msk $0xffff, v13  }
0x19a: {  	[tilespmem:s24+$0xC2D0] =	vst.add.f32.msk $0xffff, v14  }
0x19b: {  	[tilespmem:s24+$0xC2E0] =	vst.add.f32.msk $0xffff, v15  }
0x19c: {  	[tilespmem:s24+$0xC2F0] =	vst.add.f32.msk $0xffff, v16  }
0x19d: {  	[tilespmem:s24+$0xC300] =	vst.add.f32.msk $0xffff, v17  }
0x19e: {  	[tilespmem:s24+$0xC310] =	vst.add.f32.msk $0xffff, v18  }
0x19f: {  	[tilespmem:s24+$0xC320] =	vst.add.f32.msk $0xffff, v19  }
0x1a0: {  	[tilespmem:s24+$0xC330] =	vst.add.f32.msk $0xffff, v20  }
0x1a1: {  	[tilespmem:s24+$0xC340] =	vst.add.f32.msk $0xffff, v21  }
0x1a2: {  	[tilespmem:s24+$0xC350] =	vst.add.f32.msk $0xffff, v22  }
0x1a3: {  	[tilespmem:s24+$0xC360] =	vst.add.f32.msk $0xffff, v23  }
0x1a4: {  	[tilespmem:s24+$0xC370] =	vst.add.f32.msk $0xffff, v24  }
0x1a5: {  	[tilespmem:s24+$0xC380] =	vst.add.f32.msk $0xffff, v25  }
.Ltmp2:
0x1a6: {  	[tilespmem:s24+$0xC390] =	vst.add.f32.msk $0xffff, v26;
	(pc) =	sbr.rel @p0 .LBB2_6-.Ltmp2, $4  }
0x1a7: {  	[tilespmem:s24+$0xC3A0] =	vst.add.f32.msk $0xffff, v27  }
0x1a8: {  	[tilespmem:s24+$0xC3B0] =	vst.add.f32.msk $0xffff, v28  }
0x1a9: {  	[tilespmem:s24+$0xC3C0] =	vst.add.f32.msk $0xffff, v29  }
0x1aa: {  	s26 =	sadd.s32 $0x800, s26;
	[tilespmem:s24+$0xC3D0] =	vst.add.f32.msk $0xffff, v30  }
0x1ab: {  	[tilespmem:s24+$0xC3E0] =	vst.add.f32.msk $0xffff, v0;
	s31 =	simm.s32 $0x0  }
0x1ac: {  	[hbm4b:s8+s31] =	stream.linear.scatter [tilespmem:s17], [sflag:$0x4], $0x4000, $0x38;
	[tilespmem:$0x14200] =	vst v63  }
0x1ad: {  	_ =	swait.ge [sflag:s20], $0x4000  }
0x1ae: {  	[sflag:s20] =	ssyncset.done $0x0  }
0x1af: {  	s24 =	simm.s32 $0x0;
	[sflag:s20] =	ssyncadd.s32 $0xFFFFC000  }
0x1b0: {  	v0 =	vld [tilespmem:s24+$0x3F0]  }
0x1b1: {  	v1 =	vld [tilespmem:s24+$0x200]  }
0x1b2: {  	v2 =	vld [tilespmem:s24+$0x210]  }
0x1b3: {  	v3 =	vld [tilespmem:s24+$0x220]  }
0x1b4: {  	v4 =	vld [tilespmem:s24+$0x230]  }
0x1b5: {  	v5 =	vld [tilespmem:s24+$0x240]  }
0x1b6: {  	v6 =	vld [tilespmem:s24+$0x250]  }
0x1b7: {  	v7 =	vld [tilespmem:s24+$0x260]  }
0x1b8: {  	v8 =	vld [tilespmem:s24+$0x270]  }
0x1b9: {  	v9 =	vld [tilespmem:s24+$0x280]  }
0x1ba: {  	v10 =	vld [tilespmem:s24+$0x290]  }
0x1bb: {  	v11 =	vld [tilespmem:s24+$0x2A0]  }
0x1bc: {  	v12 =	vld [tilespmem:s24+$0x2B0]  }
0x1bd: {  	v13 =	vld [tilespmem:s24+$0x2C0]  }
0x1be: {  	v14 =	vld [tilespmem:s24+$0x2D0]  }
0x1bf: {  	v15 =	vld [tilespmem:s24+$0x2E0]  }
0x1c0: {  	v16 =	vld [tilespmem:s24+$0x2F0]  }
0x1c1: {  	v17 =	vld [tilespmem:s24+$0x300]  }
0x1c2: {  	v18 =	vld [tilespmem:s24+$0x310]  }
0x1c3: {  	v19 =	vld [tilespmem:s24+$0x320]  }
0x1c4: {  	v20 =	vld [tilespmem:s24+$0x330]  }
0x1c5: {  	v21 =	vld [tilespmem:s24+$0x340]  }
0x1c6: {  	v22 =	vld [tilespmem:s24+$0x350]  }
0x1c7: {  	v23 =	vld [tilespmem:s24+$0x360]  }
0x1c8: {  	v24 =	vld [tilespmem:s24+$0x370]  }
0x1c9: {  	v25 =	vld [tilespmem:s24+$0x380]  }
0x1ca: {  	v26 =	vld [tilespmem:s24+$0x390]  }
0x1cb: {  	v27 =	vld [tilespmem:s24+$0x3A0]  }
0x1cc: {  	v28 =	vld [tilespmem:s24+$0x3B0]  }
0x1cd: {  	v29 =	vld [tilespmem:s24+$0x3C0]  }
0x1ce: {  	v30 =	vld [tilespmem:s24+$0x3D0]  }
0x1cf: {  	[tilespmem:s24+$0x103F0] =	vst.add.f32.msk $0xffff, v0  }
0x1d0: {  	v0 =	vld [tilespmem:s24+$0x3E0]  }
0x1d1: {  	[tilespmem:s24+$0x10200] =	vst.add.f32.msk $0xffff, v1  }
0x1d2: {  	[tilespmem:s24+$0x10210] =	vst.add.f32.msk $0xffff, v2  }
0x1d3: {  	[tilespmem:s24+$0x10220] =	vst.add.f32.msk $0xffff, v3  }
0x1d4: {  	[tilespmem:s24+$0x10230] =	vst.add.f32.msk $0xffff, v4  }
0x1d5: {  	[tilespmem:s24+$0x10240] =	vst.add.f32.msk $0xffff, v5  }
0x1d6: {  	[tilespmem:s24+$0x10250] =	vst.add.f32.msk $0xffff, v6  }
0x1d7: {  	[tilespmem:s24+$0x10260] =	vst.add.f32.msk $0xffff, v7  }
0x1d8: {  	[tilespmem:s24+$0x10270] =	vst.add.f32.msk $0xffff, v8  }
0x1d9: {  	[tilespmem:s24+$0x10280] =	vst.add.f32.msk $0xffff, v9  }
0x1da: {  	[tilespmem:s24+$0x10290] =	vst.add.f32.msk $0xffff, v10  }
0x1db: {  	[tilespmem:s24+$0x102A0] =	vst.add.f32.msk $0xffff, v11  }
0x1dc: {  	[tilespmem:s24+$0x102B0] =	vst.add.f32.msk $0xffff, v12  }
0x1dd: {  	[tilespmem:s24+$0x102C0] =	vst.add.f32.msk $0xffff, v13  }
0x1de: {  	[tilespmem:s24+$0x102D0] =	vst.add.f32.msk $0xffff, v14  }
0x1df: {  	[tilespmem:s24+$0x102E0] =	vst.add.f32.msk $0xffff, v15  }
0x1e0: {  	[tilespmem:s24+$0x102F0] =	vst.add.f32.msk $0xffff, v16  }
0x1e1: {  	[tilespmem:s24+$0x10300] =	vst.add.f32.msk $0xffff, v17  }
0x1e2: {  	[tilespmem:s24+$0x10310] =	vst.add.f32.msk $0xffff, v18  }
0x1e3: {  	[tilespmem:s24+$0x10320] =	vst.add.f32.msk $0xffff, v19  }
0x1e4: {  	[tilespmem:s24+$0x10330] =	vst.add.f32.msk $0xffff, v20  }
0x1e5: {  	[tilespmem:s24+$0x10340] =	vst.add.f32.msk $0xffff, v21  }
0x1e6: {  	[tilespmem:s24+$0x10350] =	vst.add.f32.msk $0xffff, v22  }
0x1e7: {  	[tilespmem:s24+$0x10360] =	vst.add.f32.msk $0xffff, v23  }
0x1e8: {  	[tilespmem:s24+$0x10370] =	vst.add.f32.msk $0xffff, v24  }
0x1e9: {  	[tilespmem:s24+$0x10380] =	vst.add.f32.msk $0xffff, v25  }
0x1ea: {  	[tilespmem:s24+$0x10390] =	vst.add.f32.msk $0xffff, v26  }
0x1eb: {  	[tilespmem:s24+$0x103A0] =	vst.add.f32.msk $0xffff, v27  }
0x1ec: {  	[tilespmem:s24+$0x103B0] =	vst.add.f32.msk $0xffff, v28  }
0x1ed: {  	[tilespmem:s24+$0x103C0] =	vst.add.f32.msk $0xffff, v29  }
0x1ee: {  	s25 =	simm.s32 $0x0;
	s26 =	simm.s32 $0x800;
	[tilespmem:s24+$0x103D0] =	vst.add.f32.msk $0xffff, v30  }
.LBB2_8:
0x1ef: {  	s25 =	sadd.s32 $0x4, s25;
	[tilespmem:s24+$0x103E0] =	vst.add.f32.msk $0xffff, v0;
	s24 =	sshra.s32 s26, $0x2  }
0x1f0: {  	v0 =	vld [tilespmem:s24+$0x3F0];
	p0 =	slt.u32 s25, $0x7C  }
0x1f1: {  	v1 =	vld [tilespmem:s24+$0x200]  }
0x1f2: {  	v2 =	vld [tilespmem:s24+$0x210]  }
0x1f3: {  	v3 =	vld [tilespmem:s24+$0x220]  }
0x1f4: {  	v4 =	vld [tilespmem:s24+$0x230]  }
0x1f5: {  	[tilespmem:s24+$0x103F0] =	vst.add.f32.msk $0xffff, v0  }
0x1f6: {  	v5 =	vld [tilespmem:s24+$0x240]  }
0x1f7: {  	v6 =	vld [tilespmem:s24+$0x250]  }
0x1f8: {  	v7 =	vld [tilespmem:s24+$0x260]  }
0x1f9: {  	v8 =	vld [tilespmem:s24+$0x270]  }
0x1fa: {  	v9 =	vld [tilespmem:s24+$0x280]  }
0x1fb: {  	v10 =	vld [tilespmem:s24+$0x290]  }
0x1fc: {  	v11 =	vld [tilespmem:s24+$0x2A0]  }
0x1fd: {  	v12 =	vld [tilespmem:s24+$0x2B0]  }
0x1fe: {  	v13 =	vld [tilespmem:s24+$0x2C0]  }
0x1ff: {  	v14 =	vld [tilespmem:s24+$0x2D0]  }
0x200: {  	v15 =	vld [tilespmem:s24+$0x2E0]  }
0x201: {  	v16 =	vld [tilespmem:s24+$0x2F0]  }
0x202: {  	v17 =	vld [tilespmem:s24+$0x300]  }
0x203: {  	v18 =	vld [tilespmem:s24+$0x310]  }
0x204: {  	v19 =	vld [tilespmem:s24+$0x320]  }
0x205: {  	v20 =	vld [tilespmem:s24+$0x330]  }
0x206: {  	v21 =	vld [tilespmem:s24+$0x340]  }
0x207: {  	v22 =	vld [tilespmem:s24+$0x350]  }
0x208: {  	v23 =	vld [tilespmem:s24+$0x360]  }
0x209: {  	v24 =	vld [tilespmem:s24+$0x370]  }
0x20a: {  	v25 =	vld [tilespmem:s24+$0x380]  }
0x20b: {  	v26 =	vld [tilespmem:s24+$0x390]  }
0x20c: {  	v27 =	vld [tilespmem:s24+$0x3A0]  }
0x20d: {  	v28 =	vld [tilespmem:s24+$0x3B0]  }
0x20e: {  	v29 =	vld [tilespmem:s24+$0x3C0]  }
0x20f: {  	v30 =	vld [tilespmem:s24+$0x3D0]  }
0x210: {  	v0 =	vld [tilespmem:s24+$0x3E0]  }
0x211: {  	[tilespmem:s24+$0x10200] =	vst.add.f32.msk $0xffff, v1  }
0x212: {  	[tilespmem:s24+$0x10210] =	vst.add.f32.msk $0xffff, v2  }
0x213: {  	[tilespmem:s24+$0x10220] =	vst.add.f32.msk $0xffff, v3  }
0x214: {  	[tilespmem:s24+$0x10230] =	vst.add.f32.msk $0xffff, v4  }
0x215: {  	[tilespmem:s24+$0x10240] =	vst.add.f32.msk $0xffff, v5  }
0x216: {  	[tilespmem:s24+$0x10250] =	vst.add.f32.msk $0xffff, v6  }
0x217: {  	[tilespmem:s24+$0x10260] =	vst.add.f32.msk $0xffff, v7  }
0x218: {  	[tilespmem:s24+$0x10270] =	vst.add.f32.msk $0xffff, v8  }
0x219: {  	[tilespmem:s24+$0x10280] =	vst.add.f32.msk $0xffff, v9  }
0x21a: {  	[tilespmem:s24+$0x10290] =	vst.add.f32.msk $0xffff, v10  }
0x21b: {  	[tilespmem:s24+$0x102A0] =	vst.add.f32.msk $0xffff, v11  }
0x21c: {  	[tilespmem:s24+$0x102B0] =	vst.add.f32.msk $0xffff, v12  }
0x21d: {  	[tilespmem:s24+$0x102C0] =	vst.add.f32.msk $0xffff, v13  }
0x21e: {  	[tilespmem:s24+$0x102D0] =	vst.add.f32.msk $0xffff, v14  }
0x21f: {  	[tilespmem:s24+$0x102E0] =	vst.add.f32.msk $0xffff, v15  }
0x220: {  	[tilespmem:s24+$0x102F0] =	vst.add.f32.msk $0xffff, v16  }
0x221: {  	[tilespmem:s24+$0x10300] =	vst.add.f32.msk $0xffff, v17  }
0x222: {  	[tilespmem:s24+$0x10310] =	vst.add.f32.msk $0xffff, v18  }
0x223: {  	[tilespmem:s24+$0x10320] =	vst.add.f32.msk $0xffff, v19  }
0x224: {  	[tilespmem:s24+$0x10330] =	vst.add.f32.msk $0xffff, v20  }
0x225: {  	[tilespmem:s24+$0x10340] =	vst.add.f32.msk $0xffff, v21  }
0x226: {  	[tilespmem:s24+$0x10350] =	vst.add.f32.msk $0xffff, v22  }
0x227: {  	[tilespmem:s24+$0x10360] =	vst.add.f32.msk $0xffff, v23  }
0x228: {  	[tilespmem:s24+$0x10370] =	vst.add.f32.msk $0xffff, v24  }
0x229: {  	[tilespmem:s24+$0x10380] =	vst.add.f32.msk $0xffff, v25  }
.Ltmp3:
0x22a: {  	[tilespmem:s24+$0x10390] =	vst.add.f32.msk $0xffff, v26;
	(pc) =	sbr.rel @p0 .LBB2_8-.Ltmp3, $4  }
0x22b: {  	[tilespmem:s24+$0x103A0] =	vst.add.f32.msk $0xffff, v27  }
0x22c: {  	[tilespmem:s24+$0x103B0] =	vst.add.f32.msk $0xffff, v28  }
0x22d: {  	[tilespmem:s24+$0x103C0] =	vst.add.f32.msk $0xffff, v29  }
0x22e: {  	s26 =	sadd.s32 $0x800, s26;
	[tilespmem:s24+$0x103D0] =	vst.add.f32.msk $0xffff, v30  }
0x22f: {  	[tilespmem:s24+$0x103E0] =	vst.add.f32.msk $0xffff, v0  }
0x230: {  	[hbm4b:s9+s3] =	stream.linear.scatter [tilespmem:s19], [sflag:$0x4], $0x4000, $0x38;
	[tilespmem:$0x14200] =	vst v63  }
0x231: {  	_ =	swait.ge [sflag:s22], $0x4000  }
0x232: {  	[sflag:s22] =	ssyncset.done $0x0  }
0x233: {  	[sflag:s22] =	ssyncadd.s32 $0xFFFFC000  }
0x234: {  	_ =	swait.ge [sflag:s22], $0x4000  }
0x235: {  	[sflag:s22] =	ssyncset.done $0x0  }
0x236: {  	s23 =	sadd.s32 $0x1, s23;
	[sflag:s22] =	ssyncadd.s32 $0xFFFFC000  }
0x237: {  	p0 =	sne.s32 s23, s10;
	_ =	swait.ge [sflag:s22], $0x4000  }
.Ltmp4:
0x238: {  	[sflag:s22] =	ssyncset.done $0x0;
	(pc) =	sbr.rel @p0 .LBB2_1-.Ltmp4, $4  }
0x239: {  	[sflag:s22] =	ssyncadd.s32 $0xFFFFC000  }
0x23a: {  	_ =	swait.ge [sflag:s22], $0x4000  }
0x23b: {  	[sflag:s22] =	ssyncset.done $0x0  }
0x23c: {  	[sflag:s22] =	ssyncadd.s32 $0xFFFFC000  }
0x23d: {  	_ =	sfence.sel $0x180000  }
0x23e: {  	[bflag:$0x0] =	sbarrier.arrive $0xFFFF  }
0x23f: {  	p0 =	sne.s32 s2, $0x0;
	_ =	strace $0x90000047  }
0x240: {  	s0 =	sadd.s32 @!p0 $0x100000, s0;
	[bflag:$0x2] =	sbarrier.arrive $0xFFFF  }
0x241: {  	[sflag:s0] =	ssyncadd.tile.s32 @!p0 $0x1;
	_ =	shalt  }
.Lfunc_end2:
_tile_overlayer_lowered:
.L_overlay_start_2:
0x242: {  	(tag) =	ssettag $0x2  }
0x243: {  	s0 =	rddreg [dreg:$0x0];
	s2 =	stileid.u32  }
0x244: {  	s1 =	rddreg [dreg:$0x1];
	p0 =	sne.s32 s2, $0x0  }
0x245: {  	s3 =	rddreg [dreg:$0x2];
	[bflag:$0x3] =	sbarrier.arrive $0xFFFF;
	s2 =	simm.s32 @!p0 $0x1C05  }
0x246: {  	[timem:s3], [sflag:s2] =	dma.local @!p0 [hbm:s0], s1  }
0x247: {  	s0 =	simm.s32 @!p0 $0x5  }
0x248: {  	_ =	swait.ge @!p0 [sflag:s0], s1  }
0x249: {  	s1 =	ssub.s32 @!p0 $0x0, s1;
	[sflag:s0] =	ssyncset.done @!p0 $0x0  }
0x24a: {  	[sflag:s0] =	ssyncadd.s32 @!p0 s1  }
0x24b: {  	[bflag:$0x3] =	sbarrier.arrive $0xFFFF  }
0x24c: {  	_ =	shalt  }

</sc_bundles>
